<compile_context>
chip_gen: v7x
topology: tpu7x:2x2x1
jax: 0.10.2.dev20260603
libtpu: 0.0.44.dev20260713+nightly
codegen_flags: <defaults>
</compile_context>

<pallas_src>
import functools

import jax
import jax.numpy as jnp
from jax import lax
from jax.experimental import pallas as pl
from jax.experimental.pallas import tpu as pltpu
from jax.experimental.pallas import tpu_sc as plsc

N = 10000
D = 128
E = 320000

NC = 2
NS = 16
NW = NC * NS

CHUNK = 128
ETOT = E + N
KPW = 82
EPW = KPW * CHUNK
EPAD = NW * EPW

NPAD = 10240
RPT = NPAD // NS

@functools.lru_cache(maxsize=1)
def _mesh():
    return plsc.VectorSubcoreMesh(core_axis_name="c", subcore_axis_name="s")



def _unpack_chunk(pkv, j, idxs, row_s, row_d):
    @pl.loop(0, CHUNK // 16)
    def _(k):
        p = pkv[j, pl.ds(k * 16, 16)]
        idxs[row_s, pl.ds(k * 16, 16)] = lax.bitwise_and(p, 0xFFFF)
        idxs[row_d, pl.ds(k * 16, 16)] = lax.shift_right_logical(p, 16)


def _deg_body(pk_hbm, ones_hbm, zeros_hbm, degp_hbm, pkv, dstv, ones_v, acc,
              semz, sem):
    c = lax.axis_index("c")
    s = lax.axis_index("s")
    wid = s * NC + c
    zcp = pltpu.async_copy(zeros_hbm, acc.at[pl.ds(s * RPT, RPT)], semz)
    pltpu.sync_copy(pk_hbm.at[wid], pkv)
    pltpu.sync_copy(ones_hbm, ones_v)

    @pl.loop(0, KPW)
    def _(j):
        @pl.loop(0, CHUNK // 16)
        def _(k):
            p = pkv[j, pl.ds(k * 16, 16)]
            dstv[j, pl.ds(k * 16, 16)] = lax.shift_right_logical(p, 16)

    zcp.wait()
    plsc.subcore_barrier()

    @pl.loop(0, KPW)
    def _(j):
        pltpu.async_copy(ones_v, acc.at[dstv.at[j]], sem, add=True)

    @pl.loop(0, KPW)
    def _(j):
        pltpu.make_async_copy(ones_v, acc.at[dstv.at[0]], sem).wait()

    plsc.subcore_barrier()
    pltpu.sync_copy(acc.at[pl.ds(s * RPT, RPT)],
                    degp_hbm.at[c, pl.ds(s * RPT, RPT)])


def _deg_kernel(pk_w, ones16, zeros16):
    k = pl.kernel(
        _deg_body,
        out_type=jax.ShapeDtypeStruct((NC, NPAD, 16), jnp.float32),
        mesh=_mesh(),
        scratch_types=[
            pltpu.VMEM((KPW, CHUNK), jnp.int32),
            pltpu.VMEM((KPW, CHUNK), jnp.int32),
            pltpu.VMEM((CHUNK, 16), jnp.float32),
            pltpu.VMEM_SHARED((NPAD, 16), jnp.float32),
            pltpu.SemaphoreType.DMA,
            pltpu.SemaphoreType.DMA,
        ],
    )
    return k(pk_w, ones16, zeros16)


def _agg_body(hp_hbm, pk_hbm, zeros_hbm, aggp_hbm,
              pkv, idxs, rows_a, rows_b, acc, semz, sem_a, sem_b):
    c = lax.axis_index("c")
    s = lax.axis_index("s")
    wid = s * NC + c
    zcp = pltpu.async_copy(zeros_hbm, acc.at[pl.ds(s * RPT, RPT)], semz)
    pltpu.sync_copy(pk_hbm.at[wid], pkv)

    _unpack_chunk(pkv, 0, idxs, 0, 1)
    pltpu.async_copy(hp_hbm.at[idxs.at[0]], rows_a, sem_a)
    zcp.wait()
    plsc.subcore_barrier()

    @pl.loop(0, KPW // 2)
    def _(i):
        j = i * 2
        _unpack_chunk(pkv, j + 1, idxs, 2, 3)
        pltpu.make_async_copy(hp_hbm.at[idxs.at[0]], rows_a, sem_a).wait()
        pltpu.async_copy(hp_hbm.at[idxs.at[2]], rows_b, sem_b)
        pltpu.sync_copy(rows_a, acc.at[idxs.at[1]], add=True)

        @pl.when(i < KPW // 2 - 1)
        def _():
            _unpack_chunk(pkv, j + 2, idxs, 0, 1)
            pltpu.async_copy(hp_hbm.at[idxs.at[0]], rows_a, sem_a)

        pltpu.make_async_copy(hp_hbm.at[idxs.at[2]], rows_b, sem_b).wait()
        pltpu.sync_copy(rows_b, acc.at[idxs.at[3]], add=True)

    plsc.subcore_barrier()
    pltpu.sync_copy(acc.at[pl.ds(s * RPT, RPT)],
                    aggp_hbm.at[c, pl.ds(s * RPT, RPT)])


def _agg_kernel(hp, pk_w, zeros128):
    k = pl.kernel(
        _agg_body,
        out_type=jax.ShapeDtypeStruct((NC, NPAD, D), jnp.float32),
        mesh=_mesh(),
        scratch_types=[
            pltpu.VMEM((KPW, CHUNK), jnp.int32),
            pltpu.VMEM((4, CHUNK), jnp.int32),
            pltpu.VMEM((CHUNK, D), jnp.float32),
            pltpu.VMEM((CHUNK, D), jnp.float32),
            pltpu.VMEM_SHARED((NPAD, D), jnp.float32),
            pltpu.SemaphoreType.DMA,
            pltpu.SemaphoreType.DMA,
            pltpu.SemaphoreType.DMA,
        ],
    )
    return k(hp, pk_w, zeros128)



BR = 1000
GR = N // BR


def _dinv_of(degp_blk):
    deg = degp_blk[0] + degp_blk[1]
    return lax.rsqrt(deg[:, 0:1])


def _mm1_body(x_ref, w1_ref, degp_ref, out_ref):
    dinv = _dinv_of(degp_ref[...])
    h = jnp.dot(x_ref[...], w1_ref[...], preferred_element_type=jnp.float32)
    out_ref[...] = h * dinv


def _mid_body(aggp_ref, h1p_ref, x_ref, degp_ref, w2_ref, a0_ref, c0_ref,
              out_ref):
    dinv = _dinv_of(degp_ref[...])
    agg = aggp_ref[0] + aggp_ref[1]
    y = (agg * dinv) * a0_ref[0:1, :] + c0_ref[0:1, :]
    y = jnp.where(y > 0, y, 0.1 * y) + x_ref[...]
    h2 = jnp.dot(y, w2_ref[...], preferred_element_type=jnp.float32)
    out_ref[...] = h2 * dinv


def _final_body(aggp_ref, h2p_ref, x_ref, degp_ref, a1_ref, c1_ref, out_ref):
    dinv = _dinv_of(degp_ref[...])
    agg = aggp_ref[0] + aggp_ref[1]
    y = (agg * dinv) * a1_ref[0:1, :] + c1_ref[0:1, :]
    y = jnp.where(y > 0, y, 0.1 * y) + x_ref[...]
    mean = jnp.mean(y, axis=-1, keepdims=True)
    cen = y - mean
    var = jnp.mean(cen * cen, axis=-1, keepdims=True)
    out_ref[...] = cen * lax.rsqrt(var + 1e-5)


def _row_spec(shape_tail):
    return pl.BlockSpec((BR,) + shape_tail, lambda i: (i,) + (0,) * len(shape_tail))


_full128 = pl.BlockSpec((D, D), lambda i: (0, 0))
_vec_spec = pl.BlockSpec((8, D), lambda i: (0, 0))
_degp_spec = pl.BlockSpec((NC, BR, 16), lambda i: (0, i, 0))
_aggp_spec = pl.BlockSpec((NC, BR, D), lambda i: (0, i, 0))
_out_sds = jax.ShapeDtypeStruct((N, D), jnp.float32)


def _mm1(x, W1, degp):
    return pl.pallas_call(
        _mm1_body,
        grid=(GR,),
        in_specs=[_row_spec((D,)), _full128, _degp_spec],
        out_specs=_row_spec((D,)),
        out_shape=_out_sds,
    )(x, W1, degp)


def _mid(aggp, h1p, x, degp, W2, a0, c0):
    return pl.pallas_call(
        _mid_body,
        grid=(GR,),
        in_specs=[_aggp_spec, _row_spec((D,)), _row_spec((D,)), _degp_spec,
                  _full128, _vec_spec, _vec_spec],
        out_specs=_row_spec((D,)),
        out_shape=_out_sds,
    )(aggp, h1p, x, degp, W2, a0, c0)


def _final(aggp, h2p, x, degp, a1, c1):
    return pl.pallas_call(
        _final_body,
        grid=(GR,),
        in_specs=[_aggp_spec, _row_spec((D,)), _row_spec((D,)), _degp_spec,
                  _vec_spec, _vec_spec],
        out_specs=_row_spec((D,)),
        out_shape=_out_sds,
    )(aggp, h2p, x, degp, a1, c1)



def kernel(x, edge_index, W1, b1, W2, b2, g0, bt0, g1, bt1):
    loops = jnp.arange(N, dtype=jnp.int32)
    npad_e = EPAD - ETOT
    pad_src = jnp.arange(npad_e, dtype=jnp.int32) % N
    pad_dst = N + jnp.arange(npad_e, dtype=jnp.int32) % (NPAD - N)
    src_all = jnp.concatenate([edge_index[0], loops, pad_src])
    dst_all = jnp.concatenate([edge_index[1], loops, pad_dst])
    pk_w = (src_all | (dst_all << 16)).reshape(NW, KPW, CHUNK)

    ones16 = jnp.ones((CHUNK, 16), jnp.float32)
    zeros16 = jnp.zeros((RPT, 16), jnp.float32)
    zeros128 = jnp.zeros((RPT, D), jnp.float32)

    sbn = 1.0 / jnp.sqrt(jnp.float32(1.0 + 1e-5))
    a0 = jnp.broadcast_to(g0 * sbn, (8, D))
    c0 = jnp.broadcast_to(b1 * g0 * sbn + bt0, (8, D))
    a1 = jnp.broadcast_to(g1 * sbn, (8, D))
    c1 = jnp.broadcast_to(b2 * g1 * sbn + bt1, (8, D))

    degp = _deg_kernel(pk_w, ones16, zeros16)

    h1p = _mm1(x, W1, degp)
    agg1 = _agg_kernel(h1p, pk_w, zeros128)
    h2p = _mid(agg1, h1p, x, degp, W2, a0, c0)
    agg2 = _agg_kernel(h2p, pk_w, zeros128)
    return _final(agg2, h2p, x, degp, a1, c1)

# --- scband reference (transcript-rebuilt; emitter-appended) ---
"""Pipeline reference for scband-merged-gcn-69423851373101 (READ-ONLY COPY).

The authoritative reference and input builder live on the scoring server;
editing this copy changes nothing except your own understanding.
"""

import jax, jax.numpy as jnp
import numpy as np

N = 10000
E = 320000
D = 128
H = 128


def setup_inputs(seed: int = 0):
    key = jax.random.key(seed)
    ks = jax.random.split(key, 8)
    x = jax.random.normal(ks[0], (N, D), dtype=jnp.float32)
    edge_index = jax.random.randint(ks[1], (2, E), 0, N, dtype=jnp.int32)
    W1 = jax.random.normal(ks[2], (D, H), dtype=jnp.float32) / np.sqrt(D)
    b1 = jnp.zeros((H,), dtype=jnp.float32)
    W2 = jax.random.normal(ks[3], (H, H), dtype=jnp.float32) / np.sqrt(H)
    b2 = jnp.zeros((H,), dtype=jnp.float32)
    g0 = jnp.ones((H,), dtype=jnp.float32)
    bt0 = jnp.zeros((H,), dtype=jnp.float32)
    g1 = jnp.ones((H,), dtype=jnp.float32)
    bt1 = jnp.zeros((H,), dtype=jnp.float32)
    return {"x": x, "edge_index": edge_index, "W1": W1, "b1": b1, "W2": W2, "b2": b2,
            "g0": g0, "bt0": bt0, "g1": g1, "bt1": bt1}


def _gcn_conv(x, src, dst, W, b, n):
    # GCNConv with self-loops already appended to (src, dst); edge_weight = 1
    deg = jax.ops.segment_sum(jnp.ones_like(src, dtype=x.dtype), dst, num_segments=n)
    dinv = deg ** -0.5  # deg >= 1 because of self-loops
    norm = dinv[src] * dinv[dst]
    h = x @ W
    msg = h[src] * norm[:, None]
    out = jax.ops.segment_sum(msg, dst, num_segments=n)
    return out + b


def _bn_eval(x, gamma, beta):
    # BatchNorm1d in eval mode with fresh running stats (mean=0, var=1)
    return x / jnp.sqrt(1.0 + 1e-5) * gamma + beta


def _leaky_relu(x):
    return jnp.where(x > 0, x, 0.1 * x)


def _forward(x, edge_index, W1, b1, W2, b2, g0, bt0, g1, bt1):
    n = x.shape[0]
    loops = jnp.arange(n, dtype=edge_index.dtype)
    src = jnp.concatenate([edge_index[0], loops])
    dst = jnp.concatenate([edge_index[1], loops])
    residual = x  # input_dim == hidden_dim so residual_fc is None
    h = _gcn_conv(x, src, dst, W1, b1, n)
    h = _bn_eval(h, g0, bt0)
    h = _leaky_relu(h)
    h = h + residual
    h2 = _gcn_conv(h, src, dst, W2, b2, n)
    h2 = _bn_eval(h2, g1, bt1)
    h2 = _leaky_relu(h2)
    h2 = h2 + residual
    mean = jnp.mean(h2, axis=-1, keepdims=True)
    var = jnp.var(h2, axis=-1, keepdims=True)
    return (h2 - mean) / jnp.sqrt(var + 1e-5)


def reference(x, edge_index, W1, b1, W2, b2, g0, bt0, g1, bt1):
    return _forward(x, edge_index, W1, b1, W2, b2, g0, bt0, g1, bt1)

if __name__ == "__main__":
    import jax
    _d = setup_inputs()
    print(jax.jit(kernel)(*tuple(_d.values())))

</pallas_src>

<mosaic_0001>
#map = affine_map<(d0, d1) -> (0, 0)>
#map1 = affine_map<(d0, d1) -> (0, 0, 0)>
module attributes {stable_mosaic.version = 14 : i64} {
  func.func @_agg_body(%arg0: i32, %arg1: i32, %arg2: memref<10000x128xf32, #tpu.memory_space<hbm>>, %arg3: memref<32x82x128xi32, #tpu.memory_space<hbm>>, %arg4: memref<640x128xf32, #tpu.memory_space<hbm>>, %arg5: memref<2x10240x128xf32, #tpu.memory_space<hbm>>, %arg6: memref<82x128xi32, #tpu.memory_space<vmem>>, %arg7: memref<4x128xi32, #tpu.memory_space<vmem>>, %arg8: memref<128x128xf32, #tpu.memory_space<vmem>>, %arg9: memref<128x128xf32, #tpu.memory_space<vmem>>, %arg10: memref<10240x128xf32, #tpu.memory_space<vmem_shared>>, %arg11: memref<!tpu.dma_semaphore, #tpu.memory_space<semaphore_mem>>, %arg12: memref<!tpu.dma_semaphore, #tpu.memory_space<semaphore_mem>>, %arg13: memref<!tpu.dma_semaphore, #tpu.memory_space<semaphore_mem>>) attributes {dimension_semantics = [#tpu.dimension_semantics<core_parallel>, #tpu.dimension_semantics<subcore_parallel>], iteration_bounds = array<i64: 2, 16>, scalar_prefetch = 0 : i64, scratch_operands = 8 : i64, tpu.core_type = #tpu.core_type<sc_vector_subcore>, window_params = [{transform_indices = #map}, {transform_indices = #map1}, {transform_indices = #map}, {transform_indices = #map1}]} {
    %mul3A = arith.constant 2 : i32
    %mul3A_0 = arith.muli %arg1, %mul3A : i32
    %add3A = arith.addi %mul3A_0, %arg0 : i32
    %mul3A_1 = arith.constant 640 : i32
    %mul3A_2 = arith.muli %arg1, %mul3A_1 : i32
    %dma_start3A = arith.constant 0 : i32
    %dma_start3A_3 = tpu.memref_slice %arg10[%mul3A_2, %dma_start3A] : memref<10240x128xf32, #tpu.memory_space<vmem_shared>> -> memref<640x128xf32, #tpu.memory_space<vmem_shared>>
    tpu.enqueue_dma source(%arg4 : memref<640x128xf32, #tpu.memory_space<hbm>>) target(%dma_start3A_3 : memref<640x128xf32, #tpu.memory_space<vmem_shared>>) target_semaphore(%arg11 : memref<!tpu.dma_semaphore, #tpu.memory_space<semaphore_mem>>)
    "tpu.region"() ({
      %run_scoped3A = tpu.sem_alloc : memref<!tpu.dma_semaphore, #tpu.memory_space<semaphore_mem>>
      %dma_start3A_26 = arith.constant 0 : i32
      %dma_start3A_27 = arith.constant 0 : i32
      %dma_start3A_28 = tpu.memref_slice %arg3[%add3A, %dma_start3A_26, %dma_start3A_27] : memref<32x82x128xi32, #tpu.memory_space<hbm>> -> memref<1x82x128xi32, #tpu.memory_space<hbm>>
      %dma_start3A_29 = tpu.memref_squeeze %dma_start3A_28 : memref<1x82x128xi32, #tpu.memory_space<hbm>> -> memref<82x128xi32, #tpu.memory_space<hbm>>
      %dma_start3A_30 = arith.constant 0 : i32
      %dma_start3A_31 = arith.constant 0 : i32
      %dma_start3A_32 = tpu.memref_slice %arg3[%add3A, %dma_start3A_30, %dma_start3A_31] : memref<32x82x128xi32, #tpu.memory_space<hbm>> -> memref<1x82x128xi32, #tpu.memory_space<hbm>>
      %dma_start3A_33 = tpu.memref_squeeze %dma_start3A_32 : memref<1x82x128xi32, #tpu.memory_space<hbm>> -> memref<82x128xi32, #tpu.memory_space<hbm>>
      tpu.enqueue_dma source(%dma_start3A_33 : memref<82x128xi32, #tpu.memory_space<hbm>>) target(%arg6 : memref<82x128xi32, #tpu.memory_space<vmem>>) target_semaphore(%run_scoped3A : memref<!tpu.dma_semaphore, #tpu.memory_space<semaphore_mem>>)
      %dma_wait3A_34 = arith.constant 0 : i32
      %dma_wait3A_35 = arith.constant 0 : i32
      %dma_wait3A_36 = tpu.memref_slice %arg3[%add3A, %dma_wait3A_34, %dma_wait3A_35] : memref<32x82x128xi32, #tpu.memory_space<hbm>> -> memref<1x82x128xi32, #tpu.memory_space<hbm>>
      %dma_wait3A_37 = tpu.memref_squeeze %dma_wait3A_36 : memref<1x82x128xi32, #tpu.memory_space<hbm>> -> memref<82x128xi32, #tpu.memory_space<hbm>>
      %dma_wait3A_38 = arith.constant 0 : i32
      %dma_wait3A_39 = arith.constant 0 : i32
      %dma_wait3A_40 = tpu.memref_slice %arg3[%add3A, %dma_wait3A_38, %dma_wait3A_39] : memref<32x82x128xi32, #tpu.memory_space<hbm>> -> memref<1x82x128xi32, #tpu.memory_space<hbm>>
      %dma_wait3A_41 = tpu.memref_squeeze %dma_wait3A_40 : memref<1x82x128xi32, #tpu.memory_space<hbm>> -> memref<82x128xi32, #tpu.memory_space<hbm>>
      tpu.wait_dma2 semaphore(%run_scoped3A : memref<!tpu.dma_semaphore, #tpu.memory_space<semaphore_mem>>) src(%dma_wait3A_41 : memref<82x128xi32, #tpu.memory_space<hbm>>) dst(%arg6 : memref<82x128xi32, #tpu.memory_space<vmem>>)
      tpu.yield
    }) : () -> ()
    %scan3A = arith.constant 0 : i32
    %scan3A_4 = arith.constant 8 : i32
    %scan3A_5 = arith.addi %scan3A, %scan3A_4 : i32
    %scan3A_6 = arith.constant 1 : i32
    scf.for %scan3A_26 = %scan3A to %scan3A_5 step %scan3A_6  : i32 {
      %mul3A_27 = arith.constant 1 : i32
      %mul3A_28 = arith.muli %scan3A_26, %mul3A_27 : i32
      %add3A_29 = arith.constant 0 : i32
      %add3A_30 = arith.addi %add3A_29, %mul3A_28 : i32
      %mul3A_31 = arith.constant 16 : i32
      %mul3A_32 = arith.muli %add3A_30, %mul3A_31 : i32
      %get3A = arith.constant 0 : i32
      %get3A_33 = arith.index_cast %get3A : i32 to index
      %get3A_34 = arith.index_cast %mul3A_32 : i32 to index
      %get3A_35 = tpu.vector_load %arg6[%get3A_33, %get3A_34] {strides = array<i32>} : memref<82x128xi32, #tpu.memory_space<vmem>>, vector<1x16xi32>,
      %get3A_36 = vector.shape_cast %get3A_35 : vector<1x16xi32> to vector<16xi32>
      %and3A = arith.constant 65535 : i32
      %and3A_37 = vector.broadcast %and3A : i32 to vector<16xi32>
      %and3A_38 = arith.andi %get3A_36, %and3A_37 : vector<16xi32>
      %mul3A_39 = arith.constant 16 : i32
      %mul3A_40 = arith.muli %add3A_30, %mul3A_39 : i32
      %swap3A = arith.constant 0 : i32
      %swap3A_41 = arith.index_cast %swap3A : i32 to index
      %swap3A_42 = arith.index_cast %mul3A_40 : i32 to index
      %swap3A_43 = tpu.vector_load %arg7[%swap3A_41, %swap3A_42] {strides = array<i32>} : memref<4x128xi32, #tpu.memory_space<vmem>>, vector<1x16xi32>,
      %swap3A_44 = vector.shape_cast %swap3A_43 : vector<1x16xi32> to vector<16xi32>
      %swap3A_45 = vector.shape_cast %and3A_38 : vector<16xi32> to vector<1x16xi32>
      tpu.vector_store %arg7[%swap3A_41, %swap3A_42], %swap3A_45 {strides = array<i32>} : memref<4x128xi32, #tpu.memory_space<vmem>>, vector<1x16xi32>,
      %shift_right_logical3A = arith.constant 16 : i32
      %shift_right_logical3A_46 = vector.broadcast %shift_right_logical3A : i32 to vector<16xi32>
      %shift_right_logical3A_47 = arith.shrui %get3A_36, %shift_right_logical3A_46 : vector<16xi32>
      %mul3A_48 = arith.constant 16 : i32
      %mul3A_49 = arith.muli %add3A_30, %mul3A_48 : i32
      %swap3A_50 = arith.constant 1 : i32
      %swap3A_51 = arith.index_cast %swap3A_50 : i32 to index
      %swap3A_52 = arith.index_cast %mul3A_49 : i32 to index
      %swap3A_53 = tpu.vector_load %arg7[%swap3A_51, %swap3A_52] {strides = array<i32>} : memref<4x128xi32, #tpu.memory_space<vmem>>, vector<1x16xi32>,
      %swap3A_54 = vector.shape_cast %swap3A_53 : vector<1x16xi32> to vector<16xi32>
      %swap3A_55 = vector.shape_cast %shift_right_logical3A_47 : vector<16xi32> to vector<1x16xi32>
      tpu.vector_store %arg7[%swap3A_51, %swap3A_52], %swap3A_55 {strides = array<i32>} : memref<4x128xi32, #tpu.memory_space<vmem>>, vector<1x16xi32>,
    }
    %scan3A_7 = arith.constant 8 : i32
    %dma_start3A_8 = arith.constant 0 : i32
    %dma_start3A_9 = arith.constant 0 : i32
    %dma_start3A_10 = tpu.memref_slice %arg7[%dma_start3A_8, %dma_start3A_9] : memref<4x128xi32, #tpu.memory_space<vmem>> -> memref<1x128xi32, #tpu.memory_space<vmem>>
    %dma_start3A_11 = tpu.memref_squeeze %dma_start3A_10 : memref<1x128xi32, #tpu.memory_space<vmem>> -> memref<128xi32, #tpu.memory_space<vmem>>
    %dma_start3A_12 = arith.constant 0 : i32
    %dma_start3A_13 = arith.constant 0 : i32
    %dma_start3A_14 = tpu.memref_slice %arg2[%dma_start3A_12, %dma_start3A_13] : memref<10000x128xf32, #tpu.memory_space<hbm>> -> memref<10000x128xf32, #tpu.memory_space<hbm>>
    tpu.enqueue_indirect_dma source(%dma_start3A_14 : memref<10000x128xf32, #tpu.memory_space<hbm>>) target(%arg8 : memref<128x128xf32, #tpu.memory_space<vmem>>) offsets(%dma_start3A_11 : memref<128xi32, #tpu.memory_space<vmem>>) semaphore(%arg12 : memref<!tpu.dma_semaphore, #tpu.memory_space<semaphore_mem>>)
    %dma_wait3A = arith.constant 0 : i32
    %dma_wait3A_15 = tpu.memref_slice %arg10[%mul3A_2, %dma_wait3A] : memref<10240x128xf32, #tpu.memory_space<vmem_shared>> -> memref<640x128xf32, #tpu.memory_space<vmem_shared>>
    tpu.wait_dma2 semaphore(%arg11 : memref<!tpu.dma_semaphore, #tpu.memory_space<semaphore_mem>>) src(%arg4 : memref<640x128xf32, #tpu.memory_space<hbm>>) dst(%dma_wait3A_15 : memref<640x128xf32, #tpu.memory_space<vmem_shared>>)
    %barrier3A = arith.constant 0 : index
    tpu.barrier barrier_id(%barrier3A)
    %scan3A_16 = arith.constant 0 : i32
    %scan3A_17 = arith.constant 41 : i32
    %scan3A_18 = arith.addi %scan3A_16, %scan3A_17 : i32
    %scan3A_19 = arith.constant 1 : i32
    scf.for %scan3A_26 = %scan3A_16 to %scan3A_18 step %scan3A_19  : i32 {
      %mul3A_27 = arith.constant 1 : i32
      %mul3A_28 = arith.muli %scan3A_26, %mul3A_27 : i32
      %add3A_29 = arith.constant 0 : i32
      %add3A_30 = arith.addi %add3A_29, %mul3A_28 : i32
      %mul3A_31 = arith.constant 2 : i32
      %mul3A_32 = arith.muli %add3A_30, %mul3A_31 : i32
      %add3A_33 = arith.constant 1 : i32
      %add3A_34 = arith.addi %mul3A_32, %add3A_33 : i32
      %scan3A_35 = arith.constant 0 : i32
      %scan3A_36 = arith.constant 8 : i32
      %scan3A_37 = arith.addi %scan3A_35, %scan3A_36 : i32
      %scan3A_38 = arith.constant 1 : i32
      scf.for %scan3A_64 = %scan3A_35 to %scan3A_37 step %scan3A_38  : i32 {
        %mul3A_65 = arith.constant 1 : i32
        %mul3A_66 = arith.muli %scan3A_64, %mul3A_65 : i32
        %add3A_67 = arith.constant 0 : i32
        %add3A_68 = arith.addi %add3A_67, %mul3A_66 : i32
        %mul3A_69 = arith.constant 16 : i32
        %mul3A_70 = arith.muli %add3A_68, %mul3A_69 : i32
        %get3A = arith.index_cast %add3A_34 : i32 to index
        %get3A_71 = arith.index_cast %mul3A_70 : i32 to index
        %get3A_72 = tpu.vector_load %arg6[%get3A, %get3A_71] {strides = array<i32>} : memref<82x128xi32, #tpu.memory_space<vmem>>, vector<1x16xi32>,
        %get3A_73 = vector.shape_cast %get3A_72 : vector<1x16xi32> to vector<16xi32>
        %and3A = arith.constant 65535 : i32
        %and3A_74 = vector.broadcast %and3A : i32 to vector<16xi32>
        %and3A_75 = arith.andi %get3A_73, %and3A_74 : vector<16xi32>
        %mul3A_76 = arith.constant 16 : i32
        %mul3A_77 = arith.muli %add3A_68, %mul3A_76 : i32
        %swap3A = arith.constant 2 : i32
        %swap3A_78 = arith.index_cast %swap3A : i32 to index
        %swap3A_79 = arith.index_cast %mul3A_77 : i32 to index
        %swap3A_80 = tpu.vector_load %arg7[%swap3A_78, %swap3A_79] {strides = array<i32>} : memref<4x128xi32, #tpu.memory_space<vmem>>, vector<1x16xi32>,
        %swap3A_81 = vector.shape_cast %swap3A_80 : vector<1x16xi32> to vector<16xi32>
        %swap3A_82 = vector.shape_cast %and3A_75 : vector<16xi32> to vector<1x16xi32>
        tpu.vector_store %arg7[%swap3A_78, %swap3A_79], %swap3A_82 {strides = array<i32>} : memref<4x128xi32, #tpu.memory_space<vmem>>, vector<1x16xi32>,
        %shift_right_logical3A = arith.constant 16 : i32
        %shift_right_logical3A_83 = vector.broadcast %shift_right_logical3A : i32 to vector<16xi32>
        %shift_right_logical3A_84 = arith.shrui %get3A_73, %shift_right_logical3A_83 : vector<16xi32>
        %mul3A_85 = arith.constant 16 : i32
        %mul3A_86 = arith.muli %add3A_68, %mul3A_85 : i32
        %swap3A_87 = arith.constant 3 : i32
        %swap3A_88 = arith.index_cast %swap3A_87 : i32 to index
        %swap3A_89 = arith.index_cast %mul3A_86 : i32 to index
        %swap3A_90 = tpu.vector_load %arg7[%swap3A_88, %swap3A_89] {strides = array<i32>} : memref<4x128xi32, #tpu.memory_space<vmem>>, vector<1x16xi32>,
        %swap3A_91 = vector.shape_cast %swap3A_90 : vector<1x16xi32> to vector<16xi32>
        %swap3A_92 = vector.shape_cast %shift_right_logical3A_84 : vector<16xi32> to vector<1x16xi32>
        tpu.vector_store %arg7[%swap3A_88, %swap3A_89], %swap3A_92 {strides = array<i32>} : memref<4x128xi32, #tpu.memory_space<vmem>>, vector<1x16xi32>,
      }
      %scan3A_39 = arith.constant 8 : i32
      %dma_wait3A_40 = arith.constant 0 : i32
      %dma_wait3A_41 = arith.constant 0 : i32
      %dma_wait3A_42 = tpu.memref_slice %arg7[%dma_wait3A_40, %dma_wait3A_41] : memref<4x128xi32, #tpu.memory_space<vmem>> -> memref<1x128xi32, #tpu.memory_space<vmem>>
      %dma_wait3A_43 = tpu.memref_squeeze %dma_wait3A_42 : memref<1x128xi32, #tpu.memory_space<vmem>> -> memref<128xi32, #tpu.memory_space<vmem>>
      %dma_wait3A_44 = arith.constant 0 : i32
      %dma_wait3A_45 = arith.constant 0 : i32
      %dma_wait3A_46 = tpu.memref_slice %arg2[%dma_wait3A_44, %dma_wait3A_45] : memref<10000x128xf32, #tpu.memory_space<hbm>> -> memref<10000x128xf32, #tpu.memory_space<hbm>>
      tpu.wait_indirect_dma semaphore(%arg12 : memref<!tpu.dma_semaphore, #tpu.memory_space<semaphore_mem>>) src(%dma_wait3A_46 : memref<10000x128xf32, #tpu.memory_space<hbm>>) dst(%arg8 : memref<128x128xf32, #tpu.memory_space<vmem>>)
      %dma_start3A_47 = arith.constant 2 : i32
      %dma_start3A_48 = arith.constant 0 : i32
      %dma_start3A_49 = tpu.memref_slice %arg7[%dma_start3A_47, %dma_start3A_48] : memref<4x128xi32, #tpu.memory_space<vmem>> -> memref<1x128xi32, #tpu.memory_space<vmem>>
      %dma_start3A_50 = tpu.memref_squeeze %dma_start3A_49 : memref<1x128xi32, #tpu.memory_space<vmem>> -> memref<128xi32, #tpu.memory_space<vmem>>
      %dma_start3A_51 = arith.constant 0 : i32
      %dma_start3A_52 = arith.constant 0 : i32
      %dma_start3A_53 = tpu.memref_slice %arg2[%dma_start3A_51, %dma_start3A_52] : memref<10000x128xf32, #tpu.memory_space<hbm>> -> memref<10000x128xf32, #tpu.memory_space<hbm>>
      tpu.enqueue_indirect_dma source(%dma_start3A_53 : memref<10000x128xf32, #tpu.memory_space<hbm>>) target(%arg9 : memref<128x128xf32, #tpu.memory_space<vmem>>) offsets(%dma_start3A_50 : memref<128xi32, #tpu.memory_space<vmem>>) semaphore(%arg13 : memref<!tpu.dma_semaphore, #tpu.memory_space<semaphore_mem>>)
      %run_scoped3A = arith.constant 1 : i32
      "tpu.region"() ({
        %run_scoped3A_64 = tpu.sem_alloc : memref<!tpu.dma_semaphore, #tpu.memory_space<semaphore_mem>>
        %dma_start3A_65 = arith.constant 0 : i32
        %dma_start3A_66 = tpu.memref_slice %arg7[%run_scoped3A, %dma_start3A_65] : memref<4x128xi32, #tpu.memory_space<vmem>> -> memref<1x128xi32, #tpu.memory_space<vmem>>
        %dma_start3A_67 = tpu.memref_squeeze %dma_start3A_66 : memref<1x128xi32, #tpu.memory_space<vmem>> -> memref<128xi32, #tpu.memory_space<vmem>>
        %dma_start3A_68 = arith.constant 0 : i32
        %dma_start3A_69 = arith.constant 0 : i32
        %dma_start3A_70 = tpu.memref_slice %arg10[%dma_start3A_68, %dma_start3A_69] : memref<10240x128xf32, #tpu.memory_space<vmem_shared>> -> memref<10240x128xf32, #tpu.memory_space<vmem_shared>>
        tpu.enqueue_indirect_dma source(%arg8 : memref<128x128xf32, #tpu.memory_space<vmem>>) target(%dma_start3A_70 : memref<10240x128xf32, #tpu.memory_space<vmem_shared>>) offsets(%dma_start3A_67 : memref<128xi32, #tpu.memory_space<vmem>>) semaphore(%run_scoped3A_64 : memref<!tpu.dma_semaphore, #tpu.memory_space<semaphore_mem>>) {add = true}
        %dma_wait3A_71 = arith.constant 0 : i32
        %dma_wait3A_72 = tpu.memref_slice %arg7[%run_scoped3A, %dma_wait3A_71] : memref<4x128xi32, #tpu.memory_space<vmem>> -> memref<1x128xi32, #tpu.memory_space<vmem>>
        %dma_wait3A_73 = tpu.memref_squeeze %dma_wait3A_72 : memref<1x128xi32, #tpu.memory_space<vmem>> -> memref<128xi32, #tpu.memory_space<vmem>>
        %dma_wait3A_74 = arith.constant 0 : i32
        %dma_wait3A_75 = arith.constant 0 : i32
        %dma_wait3A_76 = tpu.memref_slice %arg10[%dma_wait3A_74, %dma_wait3A_75] : memref<10240x128xf32, #tpu.memory_space<vmem_shared>> -> memref<10240x128xf32, #tpu.memory_space<vmem_shared>>
        tpu.wait_indirect_dma semaphore(%run_scoped3A_64 : memref<!tpu.dma_semaphore, #tpu.memory_space<semaphore_mem>>) src(%arg8 : memref<128x128xf32, #tpu.memory_space<vmem>>) dst(%dma_wait3A_76 : memref<10240x128xf32, #tpu.memory_space<vmem_shared>>)
        tpu.yield
      }) : () -> ()
      %lt3A = arith.constant 40 : i32
      %lt3A_54 = arith.cmpi slt, %add3A_30, %lt3A : i32
      %convert_element_type3A = arith.extui %lt3A_54 : i1 to i32
      %cond3A = arith.constant 0 : i32
      %cond3A_55 = arith.cmpi ne, %convert_element_type3A, %cond3A : i32
      scf.if %cond3A_55 {
        %add3A_64 = arith.constant 2 : i32
        %add3A_65 = arith.addi %mul3A_32, %add3A_64 : i32
        %scan3A_66 = arith.constant 0 : i32
        %scan3A_67 = arith.constant 8 : i32
        %scan3A_68 = arith.addi %scan3A_66, %scan3A_67 : i32
        %scan3A_69 = arith.constant 1 : i32
        scf.for %scan3A_78 = %scan3A_66 to %scan3A_68 step %scan3A_69  : i32 {
          %mul3A_79 = arith.constant 1 : i32
          %mul3A_80 = arith.muli %scan3A_78, %mul3A_79 : i32
          %add3A_81 = arith.constant 0 : i32
          %add3A_82 = arith.addi %add3A_81, %mul3A_80 : i32
          %mul3A_83 = arith.constant 16 : i32
          %mul3A_84 = arith.muli %add3A_82, %mul3A_83 : i32
          %get3A = arith.index_cast %add3A_65 : i32 to index
          %get3A_85 = arith.index_cast %mul3A_84 : i32 to index
          %get3A_86 = tpu.vector_load %arg6[%get3A, %get3A_85] {strides = array<i32>} : memref<82x128xi32, #tpu.memory_space<vmem>>, vector<1x16xi32>,
          %get3A_87 = vector.shape_cast %get3A_86 : vector<1x16xi32> to vector<16xi32>
          %and3A = arith.constant 65535 : i32
          %and3A_88 = vector.broadcast %and3A : i32 to vector<16xi32>
          %and3A_89 = arith.andi %get3A_87, %and3A_88 : vector<16xi32>
          %mul3A_90 = arith.constant 16 : i32
          %mul3A_91 = arith.muli %add3A_82, %mul3A_90 : i32
          %swap3A = arith.constant 0 : i32
          %swap3A_92 = arith.index_cast %swap3A : i32 to index
          %swap3A_93 = arith.index_cast %mul3A_91 : i32 to index
          %swap3A_94 = tpu.vector_load %arg7[%swap3A_92, %swap3A_93] {strides = array<i32>} : memref<4x128xi32, #tpu.memory_space<vmem>>, vector<1x16xi32>,
          %swap3A_95 = vector.shape_cast %swap3A_94 : vector<1x16xi32> to vector<16xi32>
          %swap3A_96 = vector.shape_cast %and3A_89 : vector<16xi32> to vector<1x16xi32>
          tpu.vector_store %arg7[%swap3A_92, %swap3A_93], %swap3A_96 {strides = array<i32>} : memref<4x128xi32, #tpu.memory_space<vmem>>, vector<1x16xi32>,
          %shift_right_logical3A = arith.constant 16 : i32
          %shift_right_logical3A_97 = vector.broadcast %shift_right_logical3A : i32 to vector<16xi32>
          %shift_right_logical3A_98 = arith.shrui %get3A_87, %shift_right_logical3A_97 : vector<16xi32>
          %mul3A_99 = arith.constant 16 : i32
          %mul3A_100 = arith.muli %add3A_82, %mul3A_99 : i32
          %swap3A_101 = arith.constant 1 : i32
          %swap3A_102 = arith.index_cast %swap3A_101 : i32 to index
          %swap3A_103 = arith.index_cast %mul3A_100 : i32 to index
          %swap3A_104 = tpu.vector_load %arg7[%swap3A_102, %swap3A_103] {strides = array<i32>} : memref<4x128xi32, #tpu.memory_space<vmem>>, vector<1x16xi32>,
          %swap3A_105 = vector.shape_cast %swap3A_104 : vector<1x16xi32> to vector<16xi32>
          %swap3A_106 = vector.shape_cast %shift_right_logical3A_98 : vector<16xi32> to vector<1x16xi32>
          tpu.vector_store %arg7[%swap3A_102, %swap3A_103], %swap3A_106 {strides = array<i32>} : memref<4x128xi32, #tpu.memory_space<vmem>>, vector<1x16xi32>,
        }
        %scan3A_70 = arith.constant 8 : i32
        %dma_start3A_71 = arith.constant 0 : i32
        %dma_start3A_72 = arith.constant 0 : i32
        %dma_start3A_73 = tpu.memref_slice %arg7[%dma_start3A_71, %dma_start3A_72] : memref<4x128xi32, #tpu.memory_space<vmem>> -> memref<1x128xi32, #tpu.memory_space<vmem>>
        %dma_start3A_74 = tpu.memref_squeeze %dma_start3A_73 : memref<1x128xi32, #tpu.memory_space<vmem>> -> memref<128xi32, #tpu.memory_space<vmem>>
        %dma_start3A_75 = arith.constant 0 : i32
        %dma_start3A_76 = arith.constant 0 : i32
        %dma_start3A_77 = tpu.memref_slice %arg2[%dma_start3A_75, %dma_start3A_76] : memref<10000x128xf32, #tpu.memory_space<hbm>> -> memref<10000x128xf32, #tpu.memory_space<hbm>>
        tpu.enqueue_indirect_dma source(%dma_start3A_77 : memref<10000x128xf32, #tpu.memory_space<hbm>>) target(%arg8 : memref<128x128xf32, #tpu.memory_space<vmem>>) offsets(%dma_start3A_74 : memref<128xi32, #tpu.memory_space<vmem>>) semaphore(%arg12 : memref<!tpu.dma_semaphore, #tpu.memory_space<semaphore_mem>>)
      } else {
      }
      %dma_wait3A_56 = arith.constant 2 : i32
      %dma_wait3A_57 = arith.constant 0 : i32
      %dma_wait3A_58 = tpu.memref_slice %arg7[%dma_wait3A_56, %dma_wait3A_57] : memref<4x128xi32, #tpu.memory_space<vmem>> -> memref<1x128xi32, #tpu.memory_space<vmem>>
      %dma_wait3A_59 = tpu.memref_squeeze %dma_wait3A_58 : memref<1x128xi32, #tpu.memory_space<vmem>> -> memref<128xi32, #tpu.memory_space<vmem>>
      %dma_wait3A_60 = arith.constant 0 : i32
      %dma_wait3A_61 = arith.constant 0 : i32
      %dma_wait3A_62 = tpu.memref_slice %arg2[%dma_wait3A_60, %dma_wait3A_61] : memref<10000x128xf32, #tpu.memory_space<hbm>> -> memref<10000x128xf32, #tpu.memory_space<hbm>>
      tpu.wait_indirect_dma semaphore(%arg13 : memref<!tpu.dma_semaphore, #tpu.memory_space<semaphore_mem>>) src(%dma_wait3A_62 : memref<10000x128xf32, #tpu.memory_space<hbm>>) dst(%arg9 : memref<128x128xf32, #tpu.memory_space<vmem>>)
      %run_scoped3A_63 = arith.constant 3 : i32
      "tpu.region"() ({
        %run_scoped3A_64 = tpu.sem_alloc : memref<!tpu.dma_semaphore, #tpu.memory_space<semaphore_mem>>
        %dma_start3A_65 = arith.constant 0 : i32
        %dma_start3A_66 = tpu.memref_slice %arg7[%run_scoped3A_63, %dma_start3A_65] : memref<4x128xi32, #tpu.memory_space<vmem>> -> memref<1x128xi32, #tpu.memory_space<vmem>>
        %dma_start3A_67 = tpu.memref_squeeze %dma_start3A_66 : memref<1x128xi32, #tpu.memory_space<vmem>> -> memref<128xi32, #tpu.memory_space<vmem>>
        %dma_start3A_68 = arith.constant 0 : i32
        %dma_start3A_69 = arith.constant 0 : i32
        %dma_start3A_70 = tpu.memref_slice %arg10[%dma_start3A_68, %dma_start3A_69] : memref<10240x128xf32, #tpu.memory_space<vmem_shared>> -> memref<10240x128xf32, #tpu.memory_space<vmem_shared>>
        tpu.enqueue_indirect_dma source(%arg9 : memref<128x128xf32, #tpu.memory_space<vmem>>) target(%dma_start3A_70 : memref<10240x128xf32, #tpu.memory_space<vmem_shared>>) offsets(%dma_start3A_67 : memref<128xi32, #tpu.memory_space<vmem>>) semaphore(%run_scoped3A_64 : memref<!tpu.dma_semaphore, #tpu.memory_space<semaphore_mem>>) {add = true}
        %dma_wait3A_71 = arith.constant 0 : i32
        %dma_wait3A_72 = tpu.memref_slice %arg7[%run_scoped3A_63, %dma_wait3A_71] : memref<4x128xi32, #tpu.memory_space<vmem>> -> memref<1x128xi32, #tpu.memory_space<vmem>>
        %dma_wait3A_73 = tpu.memref_squeeze %dma_wait3A_72 : memref<1x128xi32, #tpu.memory_space<vmem>> -> memref<128xi32, #tpu.memory_space<vmem>>
        %dma_wait3A_74 = arith.constant 0 : i32
        %dma_wait3A_75 = arith.constant 0 : i32
        %dma_wait3A_76 = tpu.memref_slice %arg10[%dma_wait3A_74, %dma_wait3A_75] : memref<10240x128xf32, #tpu.memory_space<vmem_shared>> -> memref<10240x128xf32, #tpu.memory_space<vmem_shared>>
        tpu.wait_indirect_dma semaphore(%run_scoped3A_64 : memref<!tpu.dma_semaphore, #tpu.memory_space<semaphore_mem>>) src(%arg9 : memref<128x128xf32, #tpu.memory_space<vmem>>) dst(%dma_wait3A_76 : memref<10240x128xf32, #tpu.memory_space<vmem_shared>>)
        tpu.yield
      }) : () -> ()
    }
    %scan3A_20 = arith.constant 41 : i32
    %barrier3A_21 = arith.constant 0 : index
    tpu.barrier barrier_id(%barrier3A_21)
    %mul3A_22 = arith.constant 640 : i32
    %mul3A_23 = arith.muli %arg1, %mul3A_22 : i32
    %mul3A_24 = arith.constant 640 : i32
    %mul3A_25 = arith.muli %arg1, %mul3A_24 : i32
    "tpu.region"() ({
      %run_scoped3A = tpu.sem_alloc : memref<!tpu.dma_semaphore, #tpu.memory_space<semaphore_mem>>
      %dma_start3A_26 = arith.constant 0 : i32
      %dma_start3A_27 = tpu.memref_slice %arg5[%arg0, %mul3A_25, %dma_start3A_26] : memref<2x10240x128xf32, #tpu.memory_space<hbm>> -> memref<1x640x128xf32, #tpu.memory_space<hbm>>
      %dma_start3A_28 = tpu.memref_squeeze %dma_start3A_27 : memref<1x640x128xf32, #tpu.memory_space<hbm>> -> memref<640x128xf32, #tpu.memory_space<hbm>>
      %dma_start3A_29 = arith.constant 0 : i32
      %dma_start3A_30 = tpu.memref_slice %arg10[%mul3A_23, %dma_start3A_29] : memref<10240x128xf32, #tpu.memory_space<vmem_shared>> -> memref<640x128xf32, #tpu.memory_space<vmem_shared>>
      tpu.enqueue_dma source(%dma_start3A_30 : memref<640x128xf32, #tpu.memory_space<vmem_shared>>) target(%dma_start3A_28 : memref<640x128xf32, #tpu.memory_space<hbm>>) target_semaphore(%run_scoped3A : memref<!tpu.dma_semaphore, #tpu.memory_space<semaphore_mem>>)
      %dma_wait3A_31 = arith.constant 0 : i32
      %dma_wait3A_32 = tpu.memref_slice %arg5[%arg0, %mul3A_25, %dma_wait3A_31] : memref<2x10240x128xf32, #tpu.memory_space<hbm>> -> memref<1x640x128xf32, #tpu.memory_space<hbm>>
      %dma_wait3A_33 = tpu.memref_squeeze %dma_wait3A_32 : memref<1x640x128xf32, #tpu.memory_space<hbm>> -> memref<640x128xf32, #tpu.memory_space<hbm>>
      %dma_wait3A_34 = arith.constant 0 : i32
      %dma_wait3A_35 = tpu.memref_slice %arg10[%mul3A_23, %dma_wait3A_34] : memref<10240x128xf32, #tpu.memory_space<vmem_shared>> -> memref<640x128xf32, #tpu.memory_space<vmem_shared>>
      tpu.wait_dma2 semaphore(%run_scoped3A : memref<!tpu.dma_semaphore, #tpu.memory_space<semaphore_mem>>) src(%dma_wait3A_35 : memref<640x128xf32, #tpu.memory_space<vmem_shared>>) dst(%dma_wait3A_33 : memref<640x128xf32, #tpu.memory_space<hbm>>)
      tpu.yield
    }) : () -> ()
    return
  }
}

#map = affine_map<(d0, d1) -> (0, 0, 0)>
#map1 = affine_map<(d0, d1) -> (0, 0)>
module attributes {stable_mosaic.version = 14 : i64} {
  func.func @_deg_body(%arg0: i32, %arg1: i32, %arg2: memref<32x82x128xi32, #tpu.memory_space<hbm>>, %arg3: memref<128x16xf32, #tpu.memory_space<hbm>>, %arg4: memref<640x16xf32, #tpu.memory_space<hbm>>, %arg5: memref<2x10240x16xf32, #tpu.memory_space<hbm>>, %arg6: memref<82x128xi32, #tpu.memory_space<vmem>>, %arg7: memref<82x128xi32, #tpu.memory_space<vmem>>, %arg8: memref<128x16xf32, #tpu.memory_space<vmem>>, %arg9: memref<10240x16xf32, #tpu.memory_space<vmem_shared>>, %arg10: memref<!tpu.dma_semaphore, #tpu.memory_space<semaphore_mem>>, %arg11: memref<!tpu.dma_semaphore, #tpu.memory_space<semaphore_mem>>) attributes {dimension_semantics = [#tpu.dimension_semantics<core_parallel>, #tpu.dimension_semantics<subcore_parallel>], iteration_bounds = array<i64: 2, 16>, scalar_prefetch = 0 : i64, scratch_operands = 6 : i64, tpu.core_type = #tpu.core_type<sc_vector_subcore>, window_params = [{transform_indices = #map}, {transform_indices = #map1}, {transform_indices = #map1}, {transform_indices = #map}]} {
    %mul3A = arith.constant 2 : i32
    %mul3A_0 = arith.muli %arg1, %mul3A : i32
    %add3A = arith.addi %mul3A_0, %arg0 : i32
    %mul3A_1 = arith.constant 640 : i32
    %mul3A_2 = arith.muli %arg1, %mul3A_1 : i32
    %dma_start3A = arith.constant 0 : i32
    %dma_start3A_3 = tpu.memref_slice %arg9[%mul3A_2, %dma_start3A] : memref<10240x16xf32, #tpu.memory_space<vmem_shared>> -> memref<640x16xf32, #tpu.memory_space<vmem_shared>>
    tpu.enqueue_dma source(%arg4 : memref<640x16xf32, #tpu.memory_space<hbm>>) target(%dma_start3A_3 : memref<640x16xf32, #tpu.memory_space<vmem_shared>>) target_semaphore(%arg10 : memref<!tpu.dma_semaphore, #tpu.memory_space<semaphore_mem>>)
    "tpu.region"() ({
      %run_scoped3A = tpu.sem_alloc : memref<!tpu.dma_semaphore, #tpu.memory_space<semaphore_mem>>
      %dma_start3A_24 = arith.constant 0 : i32
      %dma_start3A_25 = arith.constant 0 : i32
      %dma_start3A_26 = tpu.memref_slice %arg2[%add3A, %dma_start3A_24, %dma_start3A_25] : memref<32x82x128xi32, #tpu.memory_space<hbm>> -> memref<1x82x128xi32, #tpu.memory_space<hbm>>
      %dma_start3A_27 = tpu.memref_squeeze %dma_start3A_26 : memref<1x82x128xi32, #tpu.memory_space<hbm>> -> memref<82x128xi32, #tpu.memory_space<hbm>>
      %dma_start3A_28 = arith.constant 0 : i32
      %dma_start3A_29 = arith.constant 0 : i32
      %dma_start3A_30 = tpu.memref_slice %arg2[%add3A, %dma_start3A_28, %dma_start3A_29] : memref<32x82x128xi32, #tpu.memory_space<hbm>> -> memref<1x82x128xi32, #tpu.memory_space<hbm>>
      %dma_start3A_31 = tpu.memref_squeeze %dma_start3A_30 : memref<1x82x128xi32, #tpu.memory_space<hbm>> -> memref<82x128xi32, #tpu.memory_space<hbm>>
      tpu.enqueue_dma source(%dma_start3A_31 : memref<82x128xi32, #tpu.memory_space<hbm>>) target(%arg6 : memref<82x128xi32, #tpu.memory_space<vmem>>) target_semaphore(%run_scoped3A : memref<!tpu.dma_semaphore, #tpu.memory_space<semaphore_mem>>)
      %dma_wait3A_32 = arith.constant 0 : i32
      %dma_wait3A_33 = arith.constant 0 : i32
      %dma_wait3A_34 = tpu.memref_slice %arg2[%add3A, %dma_wait3A_32, %dma_wait3A_33] : memref<32x82x128xi32, #tpu.memory_space<hbm>> -> memref<1x82x128xi32, #tpu.memory_space<hbm>>
      %dma_wait3A_35 = tpu.memref_squeeze %dma_wait3A_34 : memref<1x82x128xi32, #tpu.memory_space<hbm>> -> memref<82x128xi32, #tpu.memory_space<hbm>>
      %dma_wait3A_36 = arith.constant 0 : i32
      %dma_wait3A_37 = arith.constant 0 : i32
      %dma_wait3A_38 = tpu.memref_slice %arg2[%add3A, %dma_wait3A_36, %dma_wait3A_37] : memref<32x82x128xi32, #tpu.memory_space<hbm>> -> memref<1x82x128xi32, #tpu.memory_space<hbm>>
      %dma_wait3A_39 = tpu.memref_squeeze %dma_wait3A_38 : memref<1x82x128xi32, #tpu.memory_space<hbm>> -> memref<82x128xi32, #tpu.memory_space<hbm>>
      tpu.wait_dma2 semaphore(%run_scoped3A : memref<!tpu.dma_semaphore, #tpu.memory_space<semaphore_mem>>) src(%dma_wait3A_39 : memref<82x128xi32, #tpu.memory_space<hbm>>) dst(%arg6 : memref<82x128xi32, #tpu.memory_space<vmem>>)
      tpu.yield
    }) : () -> ()
    "tpu.region"() ({
      %run_scoped3A = tpu.sem_alloc : memref<!tpu.dma_semaphore, #tpu.memory_space<semaphore_mem>>
      tpu.enqueue_dma source(%arg3 : memref<128x16xf32, #tpu.memory_space<hbm>>) target(%arg8 : memref<128x16xf32, #tpu.memory_space<vmem>>) target_semaphore(%run_scoped3A : memref<!tpu.dma_semaphore, #tpu.memory_space<semaphore_mem>>)
      tpu.wait_dma2 semaphore(%run_scoped3A : memref<!tpu.dma_semaphore, #tpu.memory_space<semaphore_mem>>) src(%arg3 : memref<128x16xf32, #tpu.memory_space<hbm>>) dst(%arg8 : memref<128x16xf32, #tpu.memory_space<vmem>>)
      tpu.yield
    }) : () -> ()
    %scan3A = arith.constant 0 : i32
    %scan3A_4 = arith.constant 82 : i32
    %scan3A_5 = arith.addi %scan3A, %scan3A_4 : i32
    %scan3A_6 = arith.constant 1 : i32
    scf.for %scan3A_24 = %scan3A to %scan3A_5 step %scan3A_6  : i32 {
      %mul3A_25 = arith.constant 1 : i32
      %mul3A_26 = arith.muli %scan3A_24, %mul3A_25 : i32
      %add3A_27 = arith.constant 0 : i32
      %add3A_28 = arith.addi %add3A_27, %mul3A_26 : i32
      %scan3A_29 = arith.constant 0 : i32
      %scan3A_30 = arith.constant 8 : i32
      %scan3A_31 = arith.addi %scan3A_29, %scan3A_30 : i32
      %scan3A_32 = arith.constant 1 : i32
      scf.for %scan3A_34 = %scan3A_29 to %scan3A_31 step %scan3A_32  : i32 {
        %mul3A_35 = arith.constant 1 : i32
        %mul3A_36 = arith.muli %scan3A_34, %mul3A_35 : i32
        %add3A_37 = arith.constant 0 : i32
        %add3A_38 = arith.addi %add3A_37, %mul3A_36 : i32
        %mul3A_39 = arith.constant 16 : i32
        %mul3A_40 = arith.muli %add3A_38, %mul3A_39 : i32
        %get3A = arith.index_cast %add3A_28 : i32 to index
        %get3A_41 = arith.index_cast %mul3A_40 : i32 to index
        %get3A_42 = tpu.vector_load %arg6[%get3A, %get3A_41] {strides = array<i32>} : memref<82x128xi32, #tpu.memory_space<vmem>>, vector<1x16xi32>,
        %get3A_43 = vector.shape_cast %get3A_42 : vector<1x16xi32> to vector<16xi32>
        %shift_right_logical3A = arith.constant 16 : i32
        %shift_right_logical3A_44 = vector.broadcast %shift_right_logical3A : i32 to vector<16xi32>
        %shift_right_logical3A_45 = arith.shrui %get3A_43, %shift_right_logical3A_44 : vector<16xi32>
        %mul3A_46 = arith.constant 16 : i32
        %mul3A_47 = arith.muli %add3A_38, %mul3A_46 : i32
        %swap3A = arith.index_cast %add3A_28 : i32 to index
        %swap3A_48 = arith.index_cast %mul3A_47 : i32 to index
        %swap3A_49 = tpu.vector_load %arg7[%swap3A, %swap3A_48] {strides = array<i32>} : memref<82x128xi32, #tpu.memory_space<vmem>>, vector<1x16xi32>,
        %swap3A_50 = vector.shape_cast %swap3A_49 : vector<1x16xi32> to vector<16xi32>
        %swap3A_51 = vector.shape_cast %shift_right_logical3A_45 : vector<16xi32> to vector<1x16xi32>
        tpu.vector_store %arg7[%swap3A, %swap3A_48], %swap3A_51 {strides = array<i32>} : memref<82x128xi32, #tpu.memory_space<vmem>>, vector<1x16xi32>,
      }
      %scan3A_33 = arith.constant 8 : i32
    }
    %scan3A_7 = arith.constant 82 : i32
    %dma_wait3A = arith.constant 0 : i32
    %dma_wait3A_8 = tpu.memref_slice %arg9[%mul3A_2, %dma_wait3A] : memref<10240x16xf32, #tpu.memory_space<vmem_shared>> -> memref<640x16xf32, #tpu.memory_space<vmem_shared>>
    tpu.wait_dma2 semaphore(%arg10 : memref<!tpu.dma_semaphore, #tpu.memory_space<semaphore_mem>>) src(%arg4 : memref<640x16xf32, #tpu.memory_space<hbm>>) dst(%dma_wait3A_8 : memref<640x16xf32, #tpu.memory_space<vmem_shared>>)
    %barrier3A = arith.constant 0 : index
    tpu.barrier barrier_id(%barrier3A)
    %scan3A_9 = arith.constant 0 : i32
    %scan3A_10 = arith.constant 82 : i32
    %scan3A_11 = arith.addi %scan3A_9, %scan3A_10 : i32
    %scan3A_12 = arith.constant 1 : i32
    scf.for %scan3A_24 = %scan3A_9 to %scan3A_11 step %scan3A_12  : i32 {
      %mul3A_25 = arith.constant 1 : i32
      %mul3A_26 = arith.muli %scan3A_24, %mul3A_25 : i32
      %add3A_27 = arith.constant 0 : i32
      %add3A_28 = arith.addi %add3A_27, %mul3A_26 : i32
      %dma_start3A_29 = arith.constant 0 : i32
      %dma_start3A_30 = tpu.memref_slice %arg7[%add3A_28, %dma_start3A_29] : memref<82x128xi32, #tpu.memory_space<vmem>> -> memref<1x128xi32, #tpu.memory_space<vmem>>
      %dma_start3A_31 = tpu.memref_squeeze %dma_start3A_30 : memref<1x128xi32, #tpu.memory_space<vmem>> -> memref<128xi32, #tpu.memory_space<vmem>>
      %dma_start3A_32 = arith.constant 0 : i32
      %dma_start3A_33 = arith.constant 0 : i32
      %dma_start3A_34 = tpu.memref_slice %arg9[%dma_start3A_32, %dma_start3A_33] : memref<10240x16xf32, #tpu.memory_space<vmem_shared>> -> memref<10240x16xf32, #tpu.memory_space<vmem_shared>>
      tpu.enqueue_indirect_dma source(%arg8 : memref<128x16xf32, #tpu.memory_space<vmem>>) target(%dma_start3A_34 : memref<10240x16xf32, #tpu.memory_space<vmem_shared>>) offsets(%dma_start3A_31 : memref<128xi32, #tpu.memory_space<vmem>>) semaphore(%arg11 : memref<!tpu.dma_semaphore, #tpu.memory_space<semaphore_mem>>) {add = true}
    }
    %scan3A_13 = arith.constant 82 : i32
    %scan3A_14 = arith.constant 0 : i32
    %scan3A_15 = arith.constant 82 : i32
    %scan3A_16 = arith.addi %scan3A_14, %scan3A_15 : i32
    %scan3A_17 = arith.constant 1 : i32
    scf.for %scan3A_24 = %scan3A_14 to %scan3A_16 step %scan3A_17  : i32 {
      %mul3A_25 = arith.constant 1 : i32
      %mul3A_26 = arith.muli %scan3A_24, %mul3A_25 : i32
      %add3A_27 = arith.constant 0 : i32
      %add3A_28 = arith.addi %add3A_27, %mul3A_26 : i32
      %dma_wait3A_29 = arith.constant 0 : i32
      %dma_wait3A_30 = arith.constant 0 : i32
      %dma_wait3A_31 = tpu.memref_slice %arg7[%dma_wait3A_29, %dma_wait3A_30] : memref<82x128xi32, #tpu.memory_space<vmem>> -> memref<1x128xi32, #tpu.memory_space<vmem>>
      %dma_wait3A_32 = tpu.memref_squeeze %dma_wait3A_31 : memref<1x128xi32, #tpu.memory_space<vmem>> -> memref<128xi32, #tpu.memory_space<vmem>>
      %dma_wait3A_33 = arith.constant 0 : i32
      %dma_wait3A_34 = arith.constant 0 : i32
      %dma_wait3A_35 = tpu.memref_slice %arg9[%dma_wait3A_33, %dma_wait3A_34] : memref<10240x16xf32, #tpu.memory_space<vmem_shared>> -> memref<10240x16xf32, #tpu.memory_space<vmem_shared>>
      tpu.wait_indirect_dma semaphore(%arg11 : memref<!tpu.dma_semaphore, #tpu.memory_space<semaphore_mem>>) src(%arg8 : memref<128x16xf32, #tpu.memory_space<vmem>>) dst(%dma_wait3A_35 : memref<10240x16xf32, #tpu.memory_space<vmem_shared>>)
    }
    %scan3A_18 = arith.constant 82 : i32
    %barrier3A_19 = arith.constant 0 : index
    tpu.barrier barrier_id(%barrier3A_19)
    %mul3A_20 = arith.constant 640 : i32
    %mul3A_21 = arith.muli %arg1, %mul3A_20 : i32
    %mul3A_22 = arith.constant 640 : i32
    %mul3A_23 = arith.muli %arg1, %mul3A_22 : i32
    "tpu.region"() ({
      %run_scoped3A = tpu.sem_alloc : memref<!tpu.dma_semaphore, #tpu.memory_space<semaphore_mem>>
      %dma_start3A_24 = arith.constant 0 : i32
      %dma_start3A_25 = tpu.memref_slice %arg5[%arg0, %mul3A_23, %dma_start3A_24] : memref<2x10240x16xf32, #tpu.memory_space<hbm>> -> memref<1x640x16xf32, #tpu.memory_space<hbm>>
      %dma_start3A_26 = tpu.memref_squeeze %dma_start3A_25 : memref<1x640x16xf32, #tpu.memory_space<hbm>> -> memref<640x16xf32, #tpu.memory_space<hbm>>
      %dma_start3A_27 = arith.constant 0 : i32
      %dma_start3A_28 = tpu.memref_slice %arg9[%mul3A_21, %dma_start3A_27] : memref<10240x16xf32, #tpu.memory_space<vmem_shared>> -> memref<640x16xf32, #tpu.memory_space<vmem_shared>>
      tpu.enqueue_dma source(%dma_start3A_28 : memref<640x16xf32, #tpu.memory_space<vmem_shared>>) target(%dma_start3A_26 : memref<640x16xf32, #tpu.memory_space<hbm>>) target_semaphore(%run_scoped3A : memref<!tpu.dma_semaphore, #tpu.memory_space<semaphore_mem>>)
      %dma_wait3A_29 = arith.constant 0 : i32
      %dma_wait3A_30 = tpu.memref_slice %arg5[%arg0, %mul3A_23, %dma_wait3A_29] : memref<2x10240x16xf32, #tpu.memory_space<hbm>> -> memref<1x640x16xf32, #tpu.memory_space<hbm>>
      %dma_wait3A_31 = tpu.memref_squeeze %dma_wait3A_30 : memref<1x640x16xf32, #tpu.memory_space<hbm>> -> memref<640x16xf32, #tpu.memory_space<hbm>>
      %dma_wait3A_32 = arith.constant 0 : i32
      %dma_wait3A_33 = tpu.memref_slice %arg9[%mul3A_21, %dma_wait3A_32] : memref<10240x16xf32, #tpu.memory_space<vmem_shared>> -> memref<640x16xf32, #tpu.memory_space<vmem_shared>>
      tpu.wait_dma2 semaphore(%run_scoped3A : memref<!tpu.dma_semaphore, #tpu.memory_space<semaphore_mem>>) src(%dma_wait3A_33 : memref<640x16xf32, #tpu.memory_space<vmem_shared>>) dst(%dma_wait3A_31 : memref<640x16xf32, #tpu.memory_space<hbm>>)
      tpu.yield
    }) : () -> ()
    return
  }
}

#map = affine_map<(d0, d1) -> (0, 0)>
#map1 = affine_map<(d0, d1) -> (0, 0, 0)>
module attributes {stable_mosaic.version = 14 : i64} {
  func.func @_agg_body(%arg0: i32, %arg1: i32, %arg2: memref<10000x128xf32, #tpu.memory_space<hbm>>, %arg3: memref<32x82x128xi32, #tpu.memory_space<hbm>>, %arg4: memref<640x128xf32, #tpu.memory_space<hbm>>, %arg5: memref<2x10240x128xf32, #tpu.memory_space<hbm>>, %arg6: memref<82x128xi32, #tpu.memory_space<vmem>>, %arg7: memref<4x128xi32, #tpu.memory_space<vmem>>, %arg8: memref<128x128xf32, #tpu.memory_space<vmem>>, %arg9: memref<128x128xf32, #tpu.memory_space<vmem>>, %arg10: memref<10240x128xf32, #tpu.memory_space<vmem_shared>>, %arg11: memref<!tpu.dma_semaphore, #tpu.memory_space<semaphore_mem>>, %arg12: memref<!tpu.dma_semaphore, #tpu.memory_space<semaphore_mem>>, %arg13: memref<!tpu.dma_semaphore, #tpu.memory_space<semaphore_mem>>) attributes {dimension_semantics = [#tpu.dimension_semantics<core_parallel>, #tpu.dimension_semantics<subcore_parallel>], iteration_bounds = array<i64: 2, 16>, scalar_prefetch = 0 : i64, scratch_operands = 8 : i64, tpu.core_type = #tpu.core_type<sc_vector_subcore>, window_params = [{transform_indices = #map}, {transform_indices = #map1}, {transform_indices = #map}, {transform_indices = #map1}]} {
    %mul3A = arith.constant 2 : i32
    %mul3A_0 = arith.muli %arg1, %mul3A : i32
    %add3A = arith.addi %mul3A_0, %arg0 : i32
    %mul3A_1 = arith.constant 640 : i32
    %mul3A_2 = arith.muli %arg1, %mul3A_1 : i32
    %dma_start3A = arith.constant 0 : i32
    %dma_start3A_3 = tpu.memref_slice %arg10[%mul3A_2, %dma_start3A] : memref<10240x128xf32, #tpu.memory_space<vmem_shared>> -> memref<640x128xf32, #tpu.memory_space<vmem_shared>>
    tpu.enqueue_dma source(%arg4 : memref<640x128xf32, #tpu.memory_space<hbm>>) target(%dma_start3A_3 : memref<640x128xf32, #tpu.memory_space<vmem_shared>>) target_semaphore(%arg11 : memref<!tpu.dma_semaphore, #tpu.memory_space<semaphore_mem>>)
    "tpu.region"() ({
      %run_scoped3A = tpu.sem_alloc : memref<!tpu.dma_semaphore, #tpu.memory_space<semaphore_mem>>
      %dma_start3A_26 = arith.constant 0 : i32
      %dma_start3A_27 = arith.constant 0 : i32
      %dma_start3A_28 = tpu.memref_slice %arg3[%add3A, %dma_start3A_26, %dma_start3A_27] : memref<32x82x128xi32, #tpu.memory_space<hbm>> -> memref<1x82x128xi32, #tpu.memory_space<hbm>>
      %dma_start3A_29 = tpu.memref_squeeze %dma_start3A_28 : memref<1x82x128xi32, #tpu.memory_space<hbm>> -> memref<82x128xi32, #tpu.memory_space<hbm>>
      %dma_start3A_30 = arith.constant 0 : i32
      %dma_start3A_31 = arith.constant 0 : i32
      %dma_start3A_32 = tpu.memref_slice %arg3[%add3A, %dma_start3A_30, %dma_start3A_31] : memref<32x82x128xi32, #tpu.memory_space<hbm>> -> memref<1x82x128xi32, #tpu.memory_space<hbm>>
      %dma_start3A_33 = tpu.memref_squeeze %dma_start3A_32 : memref<1x82x128xi32, #tpu.memory_space<hbm>> -> memref<82x128xi32, #tpu.memory_space<hbm>>
      tpu.enqueue_dma source(%dma_start3A_33 : memref<82x128xi32, #tpu.memory_space<hbm>>) target(%arg6 : memref<82x128xi32, #tpu.memory_space<vmem>>) target_semaphore(%run_scoped3A : memref<!tpu.dma_semaphore, #tpu.memory_space<semaphore_mem>>)
      %dma_wait3A_34 = arith.constant 0 : i32
      %dma_wait3A_35 = arith.constant 0 : i32
      %dma_wait3A_36 = tpu.memref_slice %arg3[%add3A, %dma_wait3A_34, %dma_wait3A_35] : memref<32x82x128xi32, #tpu.memory_space<hbm>> -> memref<1x82x128xi32, #tpu.memory_space<hbm>>
      %dma_wait3A_37 = tpu.memref_squeeze %dma_wait3A_36 : memref<1x82x128xi32, #tpu.memory_space<hbm>> -> memref<82x128xi32, #tpu.memory_space<hbm>>
      %dma_wait3A_38 = arith.constant 0 : i32
      %dma_wait3A_39 = arith.constant 0 : i32
      %dma_wait3A_40 = tpu.memref_slice %arg3[%add3A, %dma_wait3A_38, %dma_wait3A_39] : memref<32x82x128xi32, #tpu.memory_space<hbm>> -> memref<1x82x128xi32, #tpu.memory_space<hbm>>
      %dma_wait3A_41 = tpu.memref_squeeze %dma_wait3A_40 : memref<1x82x128xi32, #tpu.memory_space<hbm>> -> memref<82x128xi32, #tpu.memory_space<hbm>>
      tpu.wait_dma2 semaphore(%run_scoped3A : memref<!tpu.dma_semaphore, #tpu.memory_space<semaphore_mem>>) src(%dma_wait3A_41 : memref<82x128xi32, #tpu.memory_space<hbm>>) dst(%arg6 : memref<82x128xi32, #tpu.memory_space<vmem>>)
      tpu.yield
    }) : () -> ()
    %scan3A = arith.constant 0 : i32
    %scan3A_4 = arith.constant 8 : i32
    %scan3A_5 = arith.addi %scan3A, %scan3A_4 : i32
    %scan3A_6 = arith.constant 1 : i32
    scf.for %scan3A_26 = %scan3A to %scan3A_5 step %scan3A_6  : i32 {
      %mul3A_27 = arith.constant 1 : i32
      %mul3A_28 = arith.muli %scan3A_26, %mul3A_27 : i32
      %add3A_29 = arith.constant 0 : i32
      %add3A_30 = arith.addi %add3A_29, %mul3A_28 : i32
      %mul3A_31 = arith.constant 16 : i32
      %mul3A_32 = arith.muli %add3A_30, %mul3A_31 : i32
      %get3A = arith.constant 0 : i32
      %get3A_33 = arith.index_cast %get3A : i32 to index
      %get3A_34 = arith.index_cast %mul3A_32 : i32 to index
      %get3A_35 = tpu.vector_load %arg6[%get3A_33, %get3A_34] {strides = array<i32>} : memref<82x128xi32, #tpu.memory_space<vmem>>, vector<1x16xi32>,
      %get3A_36 = vector.shape_cast %get3A_35 : vector<1x16xi32> to vector<16xi32>
      %and3A = arith.constant 65535 : i32
      %and3A_37 = vector.broadcast %and3A : i32 to vector<16xi32>
      %and3A_38 = arith.andi %get3A_36, %and3A_37 : vector<16xi32>
      %mul3A_39 = arith.constant 16 : i32
      %mul3A_40 = arith.muli %add3A_30, %mul3A_39 : i32
      %swap3A = arith.constant 0 : i32
      %swap3A_41 = arith.index_cast %swap3A : i32 to index
      %swap3A_42 = arith.index_cast %mul3A_40 : i32 to index
      %swap3A_43 = tpu.vector_load %arg7[%swap3A_41, %swap3A_42] {strides = array<i32>} : memref<4x128xi32, #tpu.memory_space<vmem>>, vector<1x16xi32>,
      %swap3A_44 = vector.shape_cast %swap3A_43 : vector<1x16xi32> to vector<16xi32>
      %swap3A_45 = vector.shape_cast %and3A_38 : vector<16xi32> to vector<1x16xi32>
      tpu.vector_store %arg7[%swap3A_41, %swap3A_42], %swap3A_45 {strides = array<i32>} : memref<4x128xi32, #tpu.memory_space<vmem>>, vector<1x16xi32>,
      %shift_right_logical3A = arith.constant 16 : i32
      %shift_right_logical3A_46 = vector.broadcast %shift_right_logical3A : i32 to vector<16xi32>
      %shift_right_logical3A_47 = arith.shrui %get3A_36, %shift_right_logical3A_46 : vector<16xi32>
      %mul3A_48 = arith.constant 16 : i32
      %mul3A_49 = arith.muli %add3A_30, %mul3A_48 : i32
      %swap3A_50 = arith.constant 1 : i32
      %swap3A_51 = arith.index_cast %swap3A_50 : i32 to index
      %swap3A_52 = arith.index_cast %mul3A_49 : i32 to index
      %swap3A_53 = tpu.vector_load %arg7[%swap3A_51, %swap3A_52] {strides = array<i32>} : memref<4x128xi32, #tpu.memory_space<vmem>>, vector<1x16xi32>,
      %swap3A_54 = vector.shape_cast %swap3A_53 : vector<1x16xi32> to vector<16xi32>
      %swap3A_55 = vector.shape_cast %shift_right_logical3A_47 : vector<16xi32> to vector<1x16xi32>
      tpu.vector_store %arg7[%swap3A_51, %swap3A_52], %swap3A_55 {strides = array<i32>} : memref<4x128xi32, #tpu.memory_space<vmem>>, vector<1x16xi32>,
    }
    %scan3A_7 = arith.constant 8 : i32
    %dma_start3A_8 = arith.constant 0 : i32
    %dma_start3A_9 = arith.constant 0 : i32
    %dma_start3A_10 = tpu.memref_slice %arg7[%dma_start3A_8, %dma_start3A_9] : memref<4x128xi32, #tpu.memory_space<vmem>> -> memref<1x128xi32, #tpu.memory_space<vmem>>
    %dma_start3A_11 = tpu.memref_squeeze %dma_start3A_10 : memref<1x128xi32, #tpu.memory_space<vmem>> -> memref<128xi32, #tpu.memory_space<vmem>>
    %dma_start3A_12 = arith.constant 0 : i32
    %dma_start3A_13 = arith.constant 0 : i32
    %dma_start3A_14 = tpu.memref_slice %arg2[%dma_start3A_12, %dma_start3A_13] : memref<10000x128xf32, #tpu.memory_space<hbm>> -> memref<10000x128xf32, #tpu.memory_space<hbm>>
    tpu.enqueue_indirect_dma source(%dma_start3A_14 : memref<10000x128xf32, #tpu.memory_space<hbm>>) target(%arg8 : memref<128x128xf32, #tpu.memory_space<vmem>>) offsets(%dma_start3A_11 : memref<128xi32, #tpu.memory_space<vmem>>) semaphore(%arg12 : memref<!tpu.dma_semaphore, #tpu.memory_space<semaphore_mem>>)
    %dma_wait3A = arith.constant 0 : i32
    %dma_wait3A_15 = tpu.memref_slice %arg10[%mul3A_2, %dma_wait3A] : memref<10240x128xf32, #tpu.memory_space<vmem_shared>> -> memref<640x128xf32, #tpu.memory_space<vmem_shared>>
    tpu.wait_dma2 semaphore(%arg11 : memref<!tpu.dma_semaphore, #tpu.memory_space<semaphore_mem>>) src(%arg4 : memref<640x128xf32, #tpu.memory_space<hbm>>) dst(%dma_wait3A_15 : memref<640x128xf32, #tpu.memory_space<vmem_shared>>)
    %barrier3A = arith.constant 0 : index
    tpu.barrier barrier_id(%barrier3A)
    %scan3A_16 = arith.constant 0 : i32
    %scan3A_17 = arith.constant 41 : i32
    %scan3A_18 = arith.addi %scan3A_16, %scan3A_17 : i32
    %scan3A_19 = arith.constant 1 : i32
    scf.for %scan3A_26 = %scan3A_16 to %scan3A_18 step %scan3A_19  : i32 {
      %mul3A_27 = arith.constant 1 : i32
      %mul3A_28 = arith.muli %scan3A_26, %mul3A_27 : i32
      %add3A_29 = arith.constant 0 : i32
      %add3A_30 = arith.addi %add3A_29, %mul3A_28 : i32
      %mul3A_31 = arith.constant 2 : i32
      %mul3A_32 = arith.muli %add3A_30, %mul3A_31 : i32
      %add3A_33 = arith.constant 1 : i32
      %add3A_34 = arith.addi %mul3A_32, %add3A_33 : i32
      %scan3A_35 = arith.constant 0 : i32
      %scan3A_36 = arith.constant 8 : i32
      %scan3A_37 = arith.addi %scan3A_35, %scan3A_36 : i32
      %scan3A_38 = arith.constant 1 : i32
      scf.for %scan3A_64 = %scan3A_35 to %scan3A_37 step %scan3A_38  : i32 {
        %mul3A_65 = arith.constant 1 : i32
        %mul3A_66 = arith.muli %scan3A_64, %mul3A_65 : i32
        %add3A_67 = arith.constant 0 : i32
        %add3A_68 = arith.addi %add3A_67, %mul3A_66 : i32
        %mul3A_69 = arith.constant 16 : i32
        %mul3A_70 = arith.muli %add3A_68, %mul3A_69 : i32
        %get3A = arith.index_cast %add3A_34 : i32 to index
        %get3A_71 = arith.index_cast %mul3A_70 : i32 to index
        %get3A_72 = tpu.vector_load %arg6[%get3A, %get3A_71] {strides = array<i32>} : memref<82x128xi32, #tpu.memory_space<vmem>>, vector<1x16xi32>,
        %get3A_73 = vector.shape_cast %get3A_72 : vector<1x16xi32> to vector<16xi32>
        %and3A = arith.constant 65535 : i32
        %and3A_74 = vector.broadcast %and3A : i32 to vector<16xi32>
        %and3A_75 = arith.andi %get3A_73, %and3A_74 : vector<16xi32>
        %mul3A_76 = arith.constant 16 : i32
        %mul3A_77 = arith.muli %add3A_68, %mul3A_76 : i32
        %swap3A = arith.constant 2 : i32
        %swap3A_78 = arith.index_cast %swap3A : i32 to index
        %swap3A_79 = arith.index_cast %mul3A_77 : i32 to index
        %swap3A_80 = tpu.vector_load %arg7[%swap3A_78, %swap3A_79] {strides = array<i32>} : memref<4x128xi32, #tpu.memory_space<vmem>>, vector<1x16xi32>,
        %swap3A_81 = vector.shape_cast %swap3A_80 : vector<1x16xi32> to vector<16xi32>
        %swap3A_82 = vector.shape_cast %and3A_75 : vector<16xi32> to vector<1x16xi32>
        tpu.vector_store %arg7[%swap3A_78, %swap3A_79], %swap3A_82 {strides = array<i32>} : memref<4x128xi32, #tpu.memory_space<vmem>>, vector<1x16xi32>,
        %shift_right_logical3A = arith.constant 16 : i32
        %shift_right_logical3A_83 = vector.broadcast %shift_right_logical3A : i32 to vector<16xi32>
        %shift_right_logical3A_84 = arith.shrui %get3A_73, %shift_right_logical3A_83 : vector<16xi32>
        %mul3A_85 = arith.constant 16 : i32
        %mul3A_86 = arith.muli %add3A_68, %mul3A_85 : i32
        %swap3A_87 = arith.constant 3 : i32
        %swap3A_88 = arith.index_cast %swap3A_87 : i32 to index
        %swap3A_89 = arith.index_cast %mul3A_86 : i32 to index
        %swap3A_90 = tpu.vector_load %arg7[%swap3A_88, %swap3A_89] {strides = array<i32>} : memref<4x128xi32, #tpu.memory_space<vmem>>, vector<1x16xi32>,
        %swap3A_91 = vector.shape_cast %swap3A_90 : vector<1x16xi32> to vector<16xi32>
        %swap3A_92 = vector.shape_cast %shift_right_logical3A_84 : vector<16xi32> to vector<1x16xi32>
        tpu.vector_store %arg7[%swap3A_88, %swap3A_89], %swap3A_92 {strides = array<i32>} : memref<4x128xi32, #tpu.memory_space<vmem>>, vector<1x16xi32>,
      }
      %scan3A_39 = arith.constant 8 : i32
      %dma_wait3A_40 = arith.constant 0 : i32
      %dma_wait3A_41 = arith.constant 0 : i32
      %dma_wait3A_42 = tpu.memref_slice %arg7[%dma_wait3A_40, %dma_wait3A_41] : memref<4x128xi32, #tpu.memory_space<vmem>> -> memref<1x128xi32, #tpu.memory_space<vmem>>
      %dma_wait3A_43 = tpu.memref_squeeze %dma_wait3A_42 : memref<1x128xi32, #tpu.memory_space<vmem>> -> memref<128xi32, #tpu.memory_space<vmem>>
      %dma_wait3A_44 = arith.constant 0 : i32
      %dma_wait3A_45 = arith.constant 0 : i32
      %dma_wait3A_46 = tpu.memref_slice %arg2[%dma_wait3A_44, %dma_wait3A_45] : memref<10000x128xf32, #tpu.memory_space<hbm>> -> memref<10000x128xf32, #tpu.memory_space<hbm>>
      tpu.wait_indirect_dma semaphore(%arg12 : memref<!tpu.dma_semaphore, #tpu.memory_space<semaphore_mem>>) src(%dma_wait3A_46 : memref<10000x128xf32, #tpu.memory_space<hbm>>) dst(%arg8 : memref<128x128xf32, #tpu.memory_space<vmem>>)
      %dma_start3A_47 = arith.constant 2 : i32
      %dma_start3A_48 = arith.constant 0 : i32
      %dma_start3A_49 = tpu.memref_slice %arg7[%dma_start3A_47, %dma_start3A_48] : memref<4x128xi32, #tpu.memory_space<vmem>> -> memref<1x128xi32, #tpu.memory_space<vmem>>
      %dma_start3A_50 = tpu.memref_squeeze %dma_start3A_49 : memref<1x128xi32, #tpu.memory_space<vmem>> -> memref<128xi32, #tpu.memory_space<vmem>>
      %dma_start3A_51 = arith.constant 0 : i32
      %dma_start3A_52 = arith.constant 0 : i32
      %dma_start3A_53 = tpu.memref_slice %arg2[%dma_start3A_51, %dma_start3A_52] : memref<10000x128xf32, #tpu.memory_space<hbm>> -> memref<10000x128xf32, #tpu.memory_space<hbm>>
      tpu.enqueue_indirect_dma source(%dma_start3A_53 : memref<10000x128xf32, #tpu.memory_space<hbm>>) target(%arg9 : memref<128x128xf32, #tpu.memory_space<vmem>>) offsets(%dma_start3A_50 : memref<128xi32, #tpu.memory_space<vmem>>) semaphore(%arg13 : memref<!tpu.dma_semaphore, #tpu.memory_space<semaphore_mem>>)
      %run_scoped3A = arith.constant 1 : i32
      "tpu.region"() ({
        %run_scoped3A_64 = tpu.sem_alloc : memref<!tpu.dma_semaphore, #tpu.memory_space<semaphore_mem>>
        %dma_start3A_65 = arith.constant 0 : i32
        %dma_start3A_66 = tpu.memref_slice %arg7[%run_scoped3A, %dma_start3A_65] : memref<4x128xi32, #tpu.memory_space<vmem>> -> memref<1x128xi32, #tpu.memory_space<vmem>>
        %dma_start3A_67 = tpu.memref_squeeze %dma_start3A_66 : memref<1x128xi32, #tpu.memory_space<vmem>> -> memref<128xi32, #tpu.memory_space<vmem>>
        %dma_start3A_68 = arith.constant 0 : i32
        %dma_start3A_69 = arith.constant 0 : i32
        %dma_start3A_70 = tpu.memref_slice %arg10[%dma_start3A_68, %dma_start3A_69] : memref<10240x128xf32, #tpu.memory_space<vmem_shared>> -> memref<10240x128xf32, #tpu.memory_space<vmem_shared>>
        tpu.enqueue_indirect_dma source(%arg8 : memref<128x128xf32, #tpu.memory_space<vmem>>) target(%dma_start3A_70 : memref<10240x128xf32, #tpu.memory_space<vmem_shared>>) offsets(%dma_start3A_67 : memref<128xi32, #tpu.memory_space<vmem>>) semaphore(%run_scoped3A_64 : memref<!tpu.dma_semaphore, #tpu.memory_space<semaphore_mem>>) {add = true}
        %dma_wait3A_71 = arith.constant 0 : i32
        %dma_wait3A_72 = tpu.memref_slice %arg7[%run_scoped3A, %dma_wait3A_71] : memref<4x128xi32, #tpu.memory_space<vmem>> -> memref<1x128xi32, #tpu.memory_space<vmem>>
        %dma_wait3A_73 = tpu.memref_squeeze %dma_wait3A_72 : memref<1x128xi32, #tpu.memory_space<vmem>> -> memref<128xi32, #tpu.memory_space<vmem>>
        %dma_wait3A_74 = arith.constant 0 : i32
        %dma_wait3A_75 = arith.constant 0 : i32
        %dma_wait3A_76 = tpu.memref_slice %arg10[%dma_wait3A_74, %dma_wait3A_75] : memref<10240x128xf32, #tpu.memory_space<vmem_shared>> -> memref<10240x128xf32, #tpu.memory_space<vmem_shared>>
        tpu.wait_indirect_dma semaphore(%run_scoped3A_64 : memref<!tpu.dma_semaphore, #tpu.memory_space<semaphore_mem>>) src(%arg8 : memref<128x128xf32, #tpu.memory_space<vmem>>) dst(%dma_wait3A_76 : memref<10240x128xf32, #tpu.memory_space<vmem_shared>>)
        tpu.yield
      }) : () -> ()
      %lt3A = arith.constant 40 : i32
      %lt3A_54 = arith.cmpi slt, %add3A_30, %lt3A : i32
      %convert_element_type3A = arith.extui %lt3A_54 : i1 to i32
      %cond3A = arith.constant 0 : i32
      %cond3A_55 = arith.cmpi ne, %convert_element_type3A, %cond3A : i32
      scf.if %cond3A_55 {
        %add3A_64 = arith.constant 2 : i32
        %add3A_65 = arith.addi %mul3A_32, %add3A_64 : i32
        %scan3A_66 = arith.constant 0 : i32
        %scan3A_67 = arith.constant 8 : i32
        %scan3A_68 = arith.addi %scan3A_66, %scan3A_67 : i32
        %scan3A_69 = arith.constant 1 : i32
        scf.for %scan3A_78 = %scan3A_66 to %scan3A_68 step %scan3A_69  : i32 {
          %mul3A_79 = arith.constant 1 : i32
          %mul3A_80 = arith.muli %scan3A_78, %mul3A_79 : i32
          %add3A_81 = arith.constant 0 : i32
          %add3A_82 = arith.addi %add3A_81, %mul3A_80 : i32
          %mul3A_83 = arith.constant 16 : i32
          %mul3A_84 = arith.muli %add3A_82, %mul3A_83 : i32
          %get3A = arith.index_cast %add3A_65 : i32 to index
          %get3A_85 = arith.index_cast %mul3A_84 : i32 to index
          %get3A_86 = tpu.vector_load %arg6[%get3A, %get3A_85] {strides = array<i32>} : memref<82x128xi32, #tpu.memory_space<vmem>>, vector<1x16xi32>,
          %get3A_87 = vector.shape_cast %get3A_86 : vector<1x16xi32> to vector<16xi32>
          %and3A = arith.constant 65535 : i32
          %and3A_88 = vector.broadcast %and3A : i32 to vector<16xi32>
          %and3A_89 = arith.andi %get3A_87, %and3A_88 : vector<16xi32>
          %mul3A_90 = arith.constant 16 : i32
          %mul3A_91 = arith.muli %add3A_82, %mul3A_90 : i32
          %swap3A = arith.constant 0 : i32
          %swap3A_92 = arith.index_cast %swap3A : i32 to index
          %swap3A_93 = arith.index_cast %mul3A_91 : i32 to index
          %swap3A_94 = tpu.vector_load %arg7[%swap3A_92, %swap3A_93] {strides = array<i32>} : memref<4x128xi32, #tpu.memory_space<vmem>>, vector<1x16xi32>,
          %swap3A_95 = vector.shape_cast %swap3A_94 : vector<1x16xi32> to vector<16xi32>
          %swap3A_96 = vector.shape_cast %and3A_89 : vector<16xi32> to vector<1x16xi32>
          tpu.vector_store %arg7[%swap3A_92, %swap3A_93], %swap3A_96 {strides = array<i32>} : memref<4x128xi32, #tpu.memory_space<vmem>>, vector<1x16xi32>,
          %shift_right_logical3A = arith.constant 16 : i32
          %shift_right_logical3A_97 = vector.broadcast %shift_right_logical3A : i32 to vector<16xi32>
          %shift_right_logical3A_98 = arith.shrui %get3A_87, %shift_right_logical3A_97 : vector<16xi32>
          %mul3A_99 = arith.constant 16 : i32
          %mul3A_100 = arith.muli %add3A_82, %mul3A_99 : i32
          %swap3A_101 = arith.constant 1 : i32
          %swap3A_102 = arith.index_cast %swap3A_101 : i32 to index
          %swap3A_103 = arith.index_cast %mul3A_100 : i32 to index
          %swap3A_104 = tpu.vector_load %arg7[%swap3A_102, %swap3A_103] {strides = array<i32>} : memref<4x128xi32, #tpu.memory_space<vmem>>, vector<1x16xi32>,
          %swap3A_105 = vector.shape_cast %swap3A_104 : vector<1x16xi32> to vector<16xi32>
          %swap3A_106 = vector.shape_cast %shift_right_logical3A_98 : vector<16xi32> to vector<1x16xi32>
          tpu.vector_store %arg7[%swap3A_102, %swap3A_103], %swap3A_106 {strides = array<i32>} : memref<4x128xi32, #tpu.memory_space<vmem>>, vector<1x16xi32>,
        }
        %scan3A_70 = arith.constant 8 : i32
        %dma_start3A_71 = arith.constant 0 : i32
        %dma_start3A_72 = arith.constant 0 : i32
        %dma_start3A_73 = tpu.memref_slice %arg7[%dma_start3A_71, %dma_start3A_72] : memref<4x128xi32, #tpu.memory_space<vmem>> -> memref<1x128xi32, #tpu.memory_space<vmem>>
        %dma_start3A_74 = tpu.memref_squeeze %dma_start3A_73 : memref<1x128xi32, #tpu.memory_space<vmem>> -> memref<128xi32, #tpu.memory_space<vmem>>
        %dma_start3A_75 = arith.constant 0 : i32
        %dma_start3A_76 = arith.constant 0 : i32
        %dma_start3A_77 = tpu.memref_slice %arg2[%dma_start3A_75, %dma_start3A_76] : memref<10000x128xf32, #tpu.memory_space<hbm>> -> memref<10000x128xf32, #tpu.memory_space<hbm>>
        tpu.enqueue_indirect_dma source(%dma_start3A_77 : memref<10000x128xf32, #tpu.memory_space<hbm>>) target(%arg8 : memref<128x128xf32, #tpu.memory_space<vmem>>) offsets(%dma_start3A_74 : memref<128xi32, #tpu.memory_space<vmem>>) semaphore(%arg12 : memref<!tpu.dma_semaphore, #tpu.memory_space<semaphore_mem>>)
      } else {
      }
      %dma_wait3A_56 = arith.constant 2 : i32
      %dma_wait3A_57 = arith.constant 0 : i32
      %dma_wait3A_58 = tpu.memref_slice %arg7[%dma_wait3A_56, %dma_wait3A_57] : memref<4x128xi32, #tpu.memory_space<vmem>> -> memref<1x128xi32, #tpu.memory_space<vmem>>
      %dma_wait3A_59 = tpu.memref_squeeze %dma_wait3A_58 : memref<1x128xi32, #tpu.memory_space<vmem>> -> memref<128xi32, #tpu.memory_space<vmem>>
      %dma_wait3A_60 = arith.constant 0 : i32
      %dma_wait3A_61 = arith.constant 0 : i32
      %dma_wait3A_62 = tpu.memref_slice %arg2[%dma_wait3A_60, %dma_wait3A_61] : memref<10000x128xf32, #tpu.memory_space<hbm>> -> memref<10000x128xf32, #tpu.memory_space<hbm>>
      tpu.wait_indirect_dma semaphore(%arg13 : memref<!tpu.dma_semaphore, #tpu.memory_space<semaphore_mem>>) src(%dma_wait3A_62 : memref<10000x128xf32, #tpu.memory_space<hbm>>) dst(%arg9 : memref<128x128xf32, #tpu.memory_space<vmem>>)
      %run_scoped3A_63 = arith.constant 3 : i32
      "tpu.region"() ({
        %run_scoped3A_64 = tpu.sem_alloc : memref<!tpu.dma_semaphore, #tpu.memory_space<semaphore_mem>>
        %dma_start3A_65 = arith.constant 0 : i32
        %dma_start3A_66 = tpu.memref_slice %arg7[%run_scoped3A_63, %dma_start3A_65] : memref<4x128xi32, #tpu.memory_space<vmem>> -> memref<1x128xi32, #tpu.memory_space<vmem>>
        %dma_start3A_67 = tpu.memref_squeeze %dma_start3A_66 : memref<1x128xi32, #tpu.memory_space<vmem>> -> memref<128xi32, #tpu.memory_space<vmem>>
        %dma_start3A_68 = arith.constant 0 : i32
        %dma_start3A_69 = arith.constant 0 : i32
        %dma_start3A_70 = tpu.memref_slice %arg10[%dma_start3A_68, %dma_start3A_69] : memref<10240x128xf32, #tpu.memory_space<vmem_shared>> -> memref<10240x128xf32, #tpu.memory_space<vmem_shared>>
        tpu.enqueue_indirect_dma source(%arg9 : memref<128x128xf32, #tpu.memory_space<vmem>>) target(%dma_start3A_70 : memref<10240x128xf32, #tpu.memory_space<vmem_shared>>) offsets(%dma_start3A_67 : memref<128xi32, #tpu.memory_space<vmem>>) semaphore(%run_scoped3A_64 : memref<!tpu.dma_semaphore, #tpu.memory_space<semaphore_mem>>) {add = true}
        %dma_wait3A_71 = arith.constant 0 : i32
        %dma_wait3A_72 = tpu.memref_slice %arg7[%run_scoped3A_63, %dma_wait3A_71] : memref<4x128xi32, #tpu.memory_space<vmem>> -> memref<1x128xi32, #tpu.memory_space<vmem>>
        %dma_wait3A_73 = tpu.memref_squeeze %dma_wait3A_72 : memref<1x128xi32, #tpu.memory_space<vmem>> -> memref<128xi32, #tpu.memory_space<vmem>>
        %dma_wait3A_74 = arith.constant 0 : i32
        %dma_wait3A_75 = arith.constant 0 : i32
        %dma_wait3A_76 = tpu.memref_slice %arg10[%dma_wait3A_74, %dma_wait3A_75] : memref<10240x128xf32, #tpu.memory_space<vmem_shared>> -> memref<10240x128xf32, #tpu.memory_space<vmem_shared>>
        tpu.wait_indirect_dma semaphore(%run_scoped3A_64 : memref<!tpu.dma_semaphore, #tpu.memory_space<semaphore_mem>>) src(%arg9 : memref<128x128xf32, #tpu.memory_space<vmem>>) dst(%dma_wait3A_76 : memref<10240x128xf32, #tpu.memory_space<vmem_shared>>)
        tpu.yield
      }) : () -> ()
    }
    %scan3A_20 = arith.constant 41 : i32
    %barrier3A_21 = arith.constant 0 : index
    tpu.barrier barrier_id(%barrier3A_21)
    %mul3A_22 = arith.constant 640 : i32
    %mul3A_23 = arith.muli %arg1, %mul3A_22 : i32
    %mul3A_24 = arith.constant 640 : i32
    %mul3A_25 = arith.muli %arg1, %mul3A_24 : i32
    "tpu.region"() ({
      %run_scoped3A = tpu.sem_alloc : memref<!tpu.dma_semaphore, #tpu.memory_space<semaphore_mem>>
      %dma_start3A_26 = arith.constant 0 : i32
      %dma_start3A_27 = tpu.memref_slice %arg5[%arg0, %mul3A_25, %dma_start3A_26] : memref<2x10240x128xf32, #tpu.memory_space<hbm>> -> memref<1x640x128xf32, #tpu.memory_space<hbm>>
      %dma_start3A_28 = tpu.memref_squeeze %dma_start3A_27 : memref<1x640x128xf32, #tpu.memory_space<hbm>> -> memref<640x128xf32, #tpu.memory_space<hbm>>
      %dma_start3A_29 = arith.constant 0 : i32
      %dma_start3A_30 = tpu.memref_slice %arg10[%mul3A_23, %dma_start3A_29] : memref<10240x128xf32, #tpu.memory_space<vmem_shared>> -> memref<640x128xf32, #tpu.memory_space<vmem_shared>>
      tpu.enqueue_dma source(%dma_start3A_30 : memref<640x128xf32, #tpu.memory_space<vmem_shared>>) target(%dma_start3A_28 : memref<640x128xf32, #tpu.memory_space<hbm>>) target_semaphore(%run_scoped3A : memref<!tpu.dma_semaphore, #tpu.memory_space<semaphore_mem>>)
      %dma_wait3A_31 = arith.constant 0 : i32
      %dma_wait3A_32 = tpu.memref_slice %arg5[%arg0, %mul3A_25, %dma_wait3A_31] : memref<2x10240x128xf32, #tpu.memory_space<hbm>> -> memref<1x640x128xf32, #tpu.memory_space<hbm>>
      %dma_wait3A_33 = tpu.memref_squeeze %dma_wait3A_32 : memref<1x640x128xf32, #tpu.memory_space<hbm>> -> memref<640x128xf32, #tpu.memory_space<hbm>>
      %dma_wait3A_34 = arith.constant 0 : i32
      %dma_wait3A_35 = tpu.memref_slice %arg10[%mul3A_23, %dma_wait3A_34] : memref<10240x128xf32, #tpu.memory_space<vmem_shared>> -> memref<640x128xf32, #tpu.memory_space<vmem_shared>>
      tpu.wait_dma2 semaphore(%run_scoped3A : memref<!tpu.dma_semaphore, #tpu.memory_space<semaphore_mem>>) src(%dma_wait3A_35 : memref<640x128xf32, #tpu.memory_space<vmem_shared>>) dst(%dma_wait3A_33 : memref<640x128xf32, #tpu.memory_space<hbm>>)
      tpu.yield
    }) : () -> ()
    return
  }
}

module attributes {stable_mosaic.version = 14 : i64} {
  func.func @_mm1_body(%arg0: i32, %arg1: memref<1000x128xf32, #tpu.memory_space<vmem>>, %arg2: memref<128x128xf32, #tpu.memory_space<vmem>>, %arg3: memref<2x1000x16xf32, #tpu.memory_space<vmem>>, %arg4: memref<1000x128xf32, #tpu.memory_space<vmem>>) attributes {dimension_semantics = [#tpu.dimension_semantics<arbitrary>], iteration_bounds = array<i64: 10>, scalar_prefetch = 0 : i64, scratch_operands = 0 : i64, tpu.core_type = #tpu.core_type<tc>, window_params = [{transform_indices = @transform_0, window_bounds = array<i64: 1000, 128>}, {pipeline_mode = #tpu.pipeline_mode<synchronous>, transform_indices = @transform_1, window_bounds = array<i64: 128, 128>}, {transform_indices = @transform_2, window_bounds = array<i64: 2, 1000, 16>}, {transform_indices = @transform_3, window_bounds = array<i64: 1000, 128>}]} {
    %get3A = arith.constant 0 : index
    %get3A_0 = arith.constant 0 : index
    %get3A_1 = arith.constant 0 : index
    %get3A_2 = vector.load %arg3[%get3A, %get3A_0, %get3A_1] : memref<2x1000x16xf32, #tpu.memory_space<vmem>>, vector<2x1000x16xf32>
    %slice3A = vector.extract_strided_slice %get3A_2 {offsets = [0, 0, 0], sizes = [1, 1000, 16], strides = [1, 1, 1]} : vector<2x1000x16xf32> to vector<1x1000x16xf32>
    %squeeze3A = vector.shape_cast %slice3A : vector<1x1000x16xf32> to vector<1000x16xf32>
    %slice3A_3 = vector.extract_strided_slice %get3A_2 {offsets = [1, 0, 0], sizes = [1, 1000, 16], strides = [1, 1, 1]} : vector<2x1000x16xf32> to vector<1x1000x16xf32>
    %squeeze3A_4 = vector.shape_cast %slice3A_3 : vector<1x1000x16xf32> to vector<1000x16xf32>
    %add3A = arith.addf %squeeze3A, %squeeze3A_4 : vector<1000x16xf32>
    %slice3A_5 = vector.extract_strided_slice %add3A {offsets = [0, 0], sizes = [1000, 1], strides = [1, 1]} : vector<1000x16xf32> to vector<1000x1xf32>
    %rsqrt3A = math.rsqrt %slice3A_5 : vector<1000x1xf32>
    %get3A_6 = arith.constant 0 : index
    %get3A_7 = arith.constant 0 : index
    %get3A_8 = vector.load %arg1[%get3A_6, %get3A_7] : memref<1000x128xf32, #tpu.memory_space<vmem>>, vector<1000x128xf32>
    %get3A_9 = arith.constant 0 : index
    %get3A_10 = arith.constant 0 : index
    %get3A_11 = vector.load %arg2[%get3A_9, %get3A_10] : memref<128x128xf32, #tpu.memory_space<vmem>>, vector<128x128xf32>
    %dot_general3A = arith.constant dense<0.000000e+00> : vector<1000x128xf32>
    %dot_general3A_12 = tpu.matmul %get3A_8, %get3A_11, %dot_general3A {dimension_numbers = #tpu.dot_dimension_numbers<[1], [0], [0], [1], [0, 0, 1, 1], [], []>, transpose_lhs_hint = false} : vector<1000x128xf32>, vector<128x128xf32>, vector<1000x128xf32> -> vector<1000x128xf32>
    %mul3A = vector.broadcast %rsqrt3A : vector<1000x1xf32> to vector<1000x128xf32>
    %mul3A_13 = arith.mulf %dot_general3A_12, %mul3A : vector<1000x128xf32>
    %swap3A = arith.constant 0 : index
    %swap3A_14 = arith.constant 0 : index
    %swap3A_15 = vector.load %arg4[%swap3A, %swap3A_14] : memref<1000x128xf32, #tpu.memory_space<vmem>>, vector<1000x128xf32>
    tpu.vector_store %arg4[%swap3A, %swap3A_14], %mul3A_13 {strides = array<i32>} : memref<1000x128xf32, #tpu.memory_space<vmem>>, vector<1000x128xf32>,
    return
  }
  func.func @transform_0(%arg0: i32) -> (i32, i32) {
    %c0_i32 = arith.constant 0 : i32
    %c0_i32_0 = arith.constant 0 : i32
    return %arg0, %c0_i32 : i32, i32
  }
  func.func @transform_1(%arg0: i32) -> (i32, i32) {
    %c0_i32 = arith.constant 0 : i32
    %c0_i32_0 = arith.constant 0 : i32
    %c0_i32_1 = arith.constant 0 : i32
    return %c0_i32, %c0_i32_0 : i32, i32
  }
  func.func @transform_2(%arg0: i32) -> (i32, i32, i32) {
    %c0_i32 = arith.constant 0 : i32
    %c0_i32_0 = arith.constant 0 : i32
    %c0_i32_1 = arith.constant 0 : i32
    return %c0_i32, %arg0, %c0_i32_0 : i32, i32, i32
  }
  func.func @transform_3(%arg0: i32) -> (i32, i32) {
    %c0_i32 = arith.constant 0 : i32
    %c0_i32_0 = arith.constant 0 : i32
    return %arg0, %c0_i32 : i32, i32
  }
}

module attributes {stable_mosaic.version = 14 : i64} {
  func.func @_mid_body(%arg0: i32, %arg1: memref<2x1000x128xf32, #tpu.memory_space<vmem>>, %arg2: memref<1000x128xf32, #tpu.memory_space<vmem>>, %arg3: memref<1000x128xf32, #tpu.memory_space<vmem>>, %arg4: memref<2x1000x16xf32, #tpu.memory_space<vmem>>, %arg5: memref<128x128xf32, #tpu.memory_space<vmem>>, %arg6: memref<8x128xf32, #tpu.memory_space<vmem>>, %arg7: memref<8x128xf32, #tpu.memory_space<vmem>>, %arg8: memref<1000x128xf32, #tpu.memory_space<vmem>>) attributes {dimension_semantics = [#tpu.dimension_semantics<arbitrary>], iteration_bounds = array<i64: 10>, scalar_prefetch = 0 : i64, scratch_operands = 0 : i64, tpu.core_type = #tpu.core_type<tc>, window_params = [{transform_indices = @transform_0, window_bounds = array<i64: 2, 1000, 128>}, {transform_indices = @transform_1, window_bounds = array<i64: 1000, 128>}, {transform_indices = @transform_2, window_bounds = array<i64: 1000, 128>}, {transform_indices = @transform_3, window_bounds = array<i64: 2, 1000, 16>}, {pipeline_mode = #tpu.pipeline_mode<synchronous>, transform_indices = @transform_4, window_bounds = array<i64: 128, 128>}, {pipeline_mode = #tpu.pipeline_mode<synchronous>, transform_indices = @transform_5, window_bounds = array<i64: 8, 128>}, {pipeline_mode = #tpu.pipeline_mode<synchronous>, transform_indices = @transform_6, window_bounds = array<i64: 8, 128>}, {transform_indices = @transform_7, window_bounds = array<i64: 1000, 128>}]} {
    %get3A = arith.constant 0 : index
    %get3A_0 = arith.constant 0 : index
    %get3A_1 = arith.constant 0 : index
    %get3A_2 = vector.load %arg4[%get3A, %get3A_0, %get3A_1] : memref<2x1000x16xf32, #tpu.memory_space<vmem>>, vector<2x1000x16xf32>
    %slice3A = vector.extract_strided_slice %get3A_2 {offsets = [0, 0, 0], sizes = [1, 1000, 16], strides = [1, 1, 1]} : vector<2x1000x16xf32> to vector<1x1000x16xf32>
    %squeeze3A = vector.shape_cast %slice3A : vector<1x1000x16xf32> to vector<1000x16xf32>
    %slice3A_3 = vector.extract_strided_slice %get3A_2 {offsets = [1, 0, 0], sizes = [1, 1000, 16], strides = [1, 1, 1]} : vector<2x1000x16xf32> to vector<1x1000x16xf32>
    %squeeze3A_4 = vector.shape_cast %slice3A_3 : vector<1x1000x16xf32> to vector<1000x16xf32>
    %add3A = arith.addf %squeeze3A, %squeeze3A_4 : vector<1000x16xf32>
    %slice3A_5 = vector.extract_strided_slice %add3A {offsets = [0, 0], sizes = [1000, 1], strides = [1, 1]} : vector<1000x16xf32> to vector<1000x1xf32>
    %rsqrt3A = math.rsqrt %slice3A_5 : vector<1000x1xf32>
    %get3A_6 = arith.constant 0 : index
    %get3A_7 = arith.constant 0 : index
    %get3A_8 = arith.constant 0 : index
    %get3A_9 = vector.load %arg1[%get3A_6, %get3A_7, %get3A_8] : memref<2x1000x128xf32, #tpu.memory_space<vmem>>, vector<1x1000x128xf32>
    %get3A_10 = vector.shape_cast %get3A_9 : vector<1x1000x128xf32> to vector<1000x128xf32>
    %get3A_11 = arith.constant 1 : index
    %get3A_12 = arith.constant 0 : index
    %get3A_13 = arith.constant 0 : index
    %get3A_14 = vector.load %arg1[%get3A_11, %get3A_12, %get3A_13] : memref<2x1000x128xf32, #tpu.memory_space<vmem>>, vector<1x1000x128xf32>
    %get3A_15 = vector.shape_cast %get3A_14 : vector<1x1000x128xf32> to vector<1000x128xf32>
    %add3A_16 = arith.addf %get3A_10, %get3A_15 : vector<1000x128xf32>
    %mul3A = vector.broadcast %rsqrt3A : vector<1000x1xf32> to vector<1000x128xf32>
    %mul3A_17 = arith.mulf %add3A_16, %mul3A : vector<1000x128xf32>
    %get3A_18 = arith.constant 0 : index
    %get3A_19 = arith.constant 0 : index
    %get3A_20 = vector.load %arg6[%get3A_18, %get3A_19] : memref<8x128xf32, #tpu.memory_space<vmem>>, vector<1x128xf32>
    %mul3A_21 = vector.broadcast %get3A_20 : vector<1x128xf32> to vector<1000x128xf32>
    %mul3A_22 = arith.mulf %mul3A_17, %mul3A_21 : vector<1000x128xf32>
    %get3A_23 = arith.constant 0 : index
    %get3A_24 = arith.constant 0 : index
    %get3A_25 = vector.load %arg7[%get3A_23, %get3A_24] : memref<8x128xf32, #tpu.memory_space<vmem>>, vector<1x128xf32>
    %add3A_26 = vector.broadcast %get3A_25 : vector<1x128xf32> to vector<1000x128xf32>
    %add3A_27 = arith.addf %mul3A_22, %add3A_26 : vector<1000x128xf32>
    %gt3A = arith.constant 0.000000e+00 : f32
    %gt3A_28 = vector.broadcast %gt3A : f32 to vector<1000x128xf32>
    %gt3A_29 = arith.cmpf ogt, %add3A_27, %gt3A_28 : vector<1000x128xf32>
    %mul3A_30 = arith.constant 1.000000e-01 : f32
    %mul3A_31 = vector.broadcast %mul3A_30 : f32 to vector<1000x128xf32>
    %mul3A_32 = arith.mulf %mul3A_31, %add3A_27 : vector<1000x128xf32>
    %select_n3A = arith.select %gt3A_29, %add3A_27, %mul3A_32 : vector<1000x128xi1>, vector<1000x128xf32>
    %get3A_33 = arith.constant 0 : index
    %get3A_34 = arith.constant 0 : index
    %get3A_35 = vector.load %arg3[%get3A_33, %get3A_34] : memref<1000x128xf32, #tpu.memory_space<vmem>>, vector<1000x128xf32>
    %add3A_36 = arith.addf %select_n3A, %get3A_35 : vector<1000x128xf32>
    %get3A_37 = arith.constant 0 : index
    %get3A_38 = arith.constant 0 : index
    %get3A_39 = vector.load %arg5[%get3A_37, %get3A_38] : memref<128x128xf32, #tpu.memory_space<vmem>>, vector<128x128xf32>
    %dot_general3A = arith.constant dense<0.000000e+00> : vector<1000x128xf32>
    %dot_general3A_40 = tpu.matmul %add3A_36, %get3A_39, %dot_general3A {dimension_numbers = #tpu.dot_dimension_numbers<[1], [0], [0], [1], [0, 0, 1, 1], [], []>, transpose_lhs_hint = false} : vector<1000x128xf32>, vector<128x128xf32>, vector<1000x128xf32> -> vector<1000x128xf32>
    %mul3A_41 = vector.broadcast %rsqrt3A : vector<1000x1xf32> to vector<1000x128xf32>
    %mul3A_42 = arith.mulf %dot_general3A_40, %mul3A_41 : vector<1000x128xf32>
    %swap3A = arith.constant 0 : index
    %swap3A_43 = arith.constant 0 : index
    %swap3A_44 = vector.load %arg8[%swap3A, %swap3A_43] : memref<1000x128xf32, #tpu.memory_space<vmem>>, vector<1000x128xf32>
    tpu.vector_store %arg8[%swap3A, %swap3A_43], %mul3A_42 {strides = array<i32>} : memref<1000x128xf32, #tpu.memory_space<vmem>>, vector<1000x128xf32>,
    return
  }
  func.func @transform_0(%arg0: i32) -> (i32, i32, i32) {
    %c0_i32 = arith.constant 0 : i32
    %c0_i32_0 = arith.constant 0 : i32
    %c0_i32_1 = arith.constant 0 : i32
    return %c0_i32, %arg0, %c0_i32_0 : i32, i32, i32
  }
  func.func @transform_1(%arg0: i32) -> (i32, i32) {
    %c0_i32 = arith.constant 0 : i32
    %c0_i32_0 = arith.constant 0 : i32
    return %arg0, %c0_i32 : i32, i32
  }
  func.func @transform_2(%arg0: i32) -> (i32, i32) {
    %c0_i32 = arith.constant 0 : i32
    %c0_i32_0 = arith.constant 0 : i32
    return %arg0, %c0_i32 : i32, i32
  }
  func.func @transform_3(%arg0: i32) -> (i32, i32, i32) {
    %c0_i32 = arith.constant 0 : i32
    %c0_i32_0 = arith.constant 0 : i32
    %c0_i32_1 = arith.constant 0 : i32
    return %c0_i32, %arg0, %c0_i32_0 : i32, i32, i32
  }
  func.func @transform_4(%arg0: i32) -> (i32, i32) {
    %c0_i32 = arith.constant 0 : i32
    %c0_i32_0 = arith.constant 0 : i32
    %c0_i32_1 = arith.constant 0 : i32
    return %c0_i32, %c0_i32_0 : i32, i32
  }
  func.func @transform_5(%arg0: i32) -> (i32, i32) {
    %c0_i32 = arith.constant 0 : i32
    %c0_i32_0 = arith.constant 0 : i32
    %c0_i32_1 = arith.constant 0 : i32
    return %c0_i32, %c0_i32_0 : i32, i32
  }
  func.func @transform_6(%arg0: i32) -> (i32, i32) {
    %c0_i32 = arith.constant 0 : i32
    %c0_i32_0 = arith.constant 0 : i32
    %c0_i32_1 = arith.constant 0 : i32
    return %c0_i32, %c0_i32_0 : i32, i32
  }
  func.func @transform_7(%arg0: i32) -> (i32, i32) {
    %c0_i32 = arith.constant 0 : i32
    %c0_i32_0 = arith.constant 0 : i32
    return %arg0, %c0_i32 : i32, i32
  }
}

module attributes {stable_mosaic.version = 14 : i64} {
  func.func @_final_body(%arg0: i32, %arg1: memref<2x1000x128xf32, #tpu.memory_space<vmem>>, %arg2: memref<1000x128xf32, #tpu.memory_space<vmem>>, %arg3: memref<1000x128xf32, #tpu.memory_space<vmem>>, %arg4: memref<2x1000x16xf32, #tpu.memory_space<vmem>>, %arg5: memref<8x128xf32, #tpu.memory_space<vmem>>, %arg6: memref<8x128xf32, #tpu.memory_space<vmem>>, %arg7: memref<1000x128xf32, #tpu.memory_space<vmem>>) attributes {dimension_semantics = [#tpu.dimension_semantics<arbitrary>], iteration_bounds = array<i64: 10>, scalar_prefetch = 0 : i64, scratch_operands = 0 : i64, tpu.core_type = #tpu.core_type<tc>, window_params = [{transform_indices = @transform_0, window_bounds = array<i64: 2, 1000, 128>}, {transform_indices = @transform_1, window_bounds = array<i64: 1000, 128>}, {transform_indices = @transform_2, window_bounds = array<i64: 1000, 128>}, {transform_indices = @transform_3, window_bounds = array<i64: 2, 1000, 16>}, {pipeline_mode = #tpu.pipeline_mode<synchronous>, transform_indices = @transform_4, window_bounds = array<i64: 8, 128>}, {pipeline_mode = #tpu.pipeline_mode<synchronous>, transform_indices = @transform_5, window_bounds = array<i64: 8, 128>}, {transform_indices = @transform_6, window_bounds = array<i64: 1000, 128>}]} {
    %get3A = arith.constant 0 : index
    %get3A_0 = arith.constant 0 : index
    %get3A_1 = arith.constant 0 : index
    %get3A_2 = vector.load %arg4[%get3A, %get3A_0, %get3A_1] : memref<2x1000x16xf32, #tpu.memory_space<vmem>>, vector<2x1000x16xf32>
    %slice3A = vector.extract_strided_slice %get3A_2 {offsets = [0, 0, 0], sizes = [1, 1000, 16], strides = [1, 1, 1]} : vector<2x1000x16xf32> to vector<1x1000x16xf32>
    %squeeze3A = vector.shape_cast %slice3A : vector<1x1000x16xf32> to vector<1000x16xf32>
    %slice3A_3 = vector.extract_strided_slice %get3A_2 {offsets = [1, 0, 0], sizes = [1, 1000, 16], strides = [1, 1, 1]} : vector<2x1000x16xf32> to vector<1x1000x16xf32>
    %squeeze3A_4 = vector.shape_cast %slice3A_3 : vector<1x1000x16xf32> to vector<1000x16xf32>
    %add3A = arith.addf %squeeze3A, %squeeze3A_4 : vector<1000x16xf32>
    %slice3A_5 = vector.extract_strided_slice %add3A {offsets = [0, 0], sizes = [1000, 1], strides = [1, 1]} : vector<1000x16xf32> to vector<1000x1xf32>
    %rsqrt3A = math.rsqrt %slice3A_5 : vector<1000x1xf32>
    %get3A_6 = arith.constant 0 : index
    %get3A_7 = arith.constant 0 : index
    %get3A_8 = arith.constant 0 : index
    %get3A_9 = vector.load %arg1[%get3A_6, %get3A_7, %get3A_8] : memref<2x1000x128xf32, #tpu.memory_space<vmem>>, vector<1x1000x128xf32>
    %get3A_10 = vector.shape_cast %get3A_9 : vector<1x1000x128xf32> to vector<1000x128xf32>
    %get3A_11 = arith.constant 1 : index
    %get3A_12 = arith.constant 0 : index
    %get3A_13 = arith.constant 0 : index
    %get3A_14 = vector.load %arg1[%get3A_11, %get3A_12, %get3A_13] : memref<2x1000x128xf32, #tpu.memory_space<vmem>>, vector<1x1000x128xf32>
    %get3A_15 = vector.shape_cast %get3A_14 : vector<1x1000x128xf32> to vector<1000x128xf32>
    %add3A_16 = arith.addf %get3A_10, %get3A_15 : vector<1000x128xf32>
    %mul3A = vector.broadcast %rsqrt3A : vector<1000x1xf32> to vector<1000x128xf32>
    %mul3A_17 = arith.mulf %add3A_16, %mul3A : vector<1000x128xf32>
    %get3A_18 = arith.constant 0 : index
    %get3A_19 = arith.constant 0 : index
    %get3A_20 = vector.load %arg5[%get3A_18, %get3A_19] : memref<8x128xf32, #tpu.memory_space<vmem>>, vector<1x128xf32>
    %mul3A_21 = vector.broadcast %get3A_20 : vector<1x128xf32> to vector<1000x128xf32>
    %mul3A_22 = arith.mulf %mul3A_17, %mul3A_21 : vector<1000x128xf32>
    %get3A_23 = arith.constant 0 : index
    %get3A_24 = arith.constant 0 : index
    %get3A_25 = vector.load %arg6[%get3A_23, %get3A_24] : memref<8x128xf32, #tpu.memory_space<vmem>>, vector<1x128xf32>
    %add3A_26 = vector.broadcast %get3A_25 : vector<1x128xf32> to vector<1000x128xf32>
    %add3A_27 = arith.addf %mul3A_22, %add3A_26 : vector<1000x128xf32>
    %gt3A = arith.constant 0.000000e+00 : f32
    %gt3A_28 = vector.broadcast %gt3A : f32 to vector<1000x128xf32>
    %gt3A_29 = arith.cmpf ogt, %add3A_27, %gt3A_28 : vector<1000x128xf32>
    %mul3A_30 = arith.constant 1.000000e-01 : f32
    %mul3A_31 = vector.broadcast %mul3A_30 : f32 to vector<1000x128xf32>
    %mul3A_32 = arith.mulf %mul3A_31, %add3A_27 : vector<1000x128xf32>
    %select_n3A = arith.select %gt3A_29, %add3A_27, %mul3A_32 : vector<1000x128xi1>, vector<1000x128xf32>
    %get3A_33 = arith.constant 0 : index
    %get3A_34 = arith.constant 0 : index
    %get3A_35 = vector.load %arg3[%get3A_33, %get3A_34] : memref<1000x128xf32, #tpu.memory_space<vmem>>, vector<1000x128xf32>
    %add3A_36 = arith.addf %select_n3A, %get3A_35 : vector<1000x128xf32>
    %reduce_sum3A = arith.constant dense<0.000000e+00> : vector<1000xf32>
    %reduce_sum3A_37 = vector.multi_reduction <add>, %add3A_36, %reduce_sum3A [1] : vector<1000x128xf32> to vector<1000xf32>
    %broadcast_in_dim3A = vector.shape_cast %reduce_sum3A_37 : vector<1000xf32> to vector<1000x1xf32>
    %div3A = arith.constant 1.280000e+02 : f32
    %div3A_38 = vector.broadcast %div3A : f32 to vector<1000x1xf32>
    %div3A_39 = arith.divf %broadcast_in_dim3A, %div3A_38 : vector<1000x1xf32>
    %sub3A = vector.broadcast %div3A_39 : vector<1000x1xf32> to vector<1000x128xf32>
    %sub3A_40 = arith.subf %add3A_36, %sub3A : vector<1000x128xf32>
    %mul3A_41 = arith.mulf %sub3A_40, %sub3A_40 : vector<1000x128xf32>
    %reduce_sum3A_42 = arith.constant dense<0.000000e+00> : vector<1000xf32>
    %reduce_sum3A_43 = vector.multi_reduction <add>, %mul3A_41, %reduce_sum3A_42 [1] : vector<1000x128xf32> to vector<1000xf32>
    %broadcast_in_dim3A_44 = vector.shape_cast %reduce_sum3A_43 : vector<1000xf32> to vector<1000x1xf32>
    %div3A_45 = arith.constant 1.280000e+02 : f32
    %div3A_46 = vector.broadcast %div3A_45 : f32 to vector<1000x1xf32>
    %div3A_47 = arith.divf %broadcast_in_dim3A_44, %div3A_46 : vector<1000x1xf32>
    %add3A_48 = arith.constant 9.99999974E-6 : f32
    %add3A_49 = vector.broadcast %add3A_48 : f32 to vector<1000x1xf32>
    %add3A_50 = arith.addf %div3A_47, %add3A_49 : vector<1000x1xf32>
    %rsqrt3A_51 = math.rsqrt %add3A_50 : vector<1000x1xf32>
    %mul3A_52 = vector.broadcast %rsqrt3A_51 : vector<1000x1xf32> to vector<1000x128xf32>
    %mul3A_53 = arith.mulf %sub3A_40, %mul3A_52 : vector<1000x128xf32>
    %swap3A = arith.constant 0 : index
    %swap3A_54 = arith.constant 0 : index
    %swap3A_55 = vector.load %arg7[%swap3A, %swap3A_54] : memref<1000x128xf32, #tpu.memory_space<vmem>>, vector<1000x128xf32>
    tpu.vector_store %arg7[%swap3A, %swap3A_54], %mul3A_53 {strides = array<i32>} : memref<1000x128xf32, #tpu.memory_space<vmem>>, vector<1000x128xf32>,
    return
  }
  func.func @transform_0(%arg0: i32) -> (i32, i32, i32) {
    %c0_i32 = arith.constant 0 : i32
    %c0_i32_0 = arith.constant 0 : i32
    %c0_i32_1 = arith.constant 0 : i32
    return %c0_i32, %arg0, %c0_i32_0 : i32, i32, i32
  }
  func.func @transform_1(%arg0: i32) -> (i32, i32) {
    %c0_i32 = arith.constant 0 : i32
    %c0_i32_0 = arith.constant 0 : i32
    return %arg0, %c0_i32 : i32, i32
  }
  func.func @transform_2(%arg0: i32) -> (i32, i32) {
    %c0_i32 = arith.constant 0 : i32
    %c0_i32_0 = arith.constant 0 : i32
    return %arg0, %c0_i32 : i32, i32
  }
  func.func @transform_3(%arg0: i32) -> (i32, i32, i32) {
    %c0_i32 = arith.constant 0 : i32
    %c0_i32_0 = arith.constant 0 : i32
    %c0_i32_1 = arith.constant 0 : i32
    return %c0_i32, %arg0, %c0_i32_0 : i32, i32, i32
  }
  func.func @transform_4(%arg0: i32) -> (i32, i32) {
    %c0_i32 = arith.constant 0 : i32
    %c0_i32_0 = arith.constant 0 : i32
    %c0_i32_1 = arith.constant 0 : i32
    return %c0_i32, %c0_i32_0 : i32, i32
  }
  func.func @transform_5(%arg0: i32) -> (i32, i32) {
    %c0_i32 = arith.constant 0 : i32
    %c0_i32_0 = arith.constant 0 : i32
    %c0_i32_1 = arith.constant 0 : i32
    return %c0_i32, %c0_i32_0 : i32, i32
  }
  func.func @transform_6(%arg0: i32) -> (i32, i32) {
    %c0_i32 = arith.constant 0 : i32
    %c0_i32_0 = arith.constant 0 : i32
    return %arg0, %c0_i32 : i32, i32
  }
}

</mosaic_0001>

<sc_bundles>
// kernel: kernel.11.cloned.1.call-start
scs
__scs_entry_jumppad:
0x0: {  	(pc) =	sbr.rel $0x88, $3  }
0x1: {  	(tag) =	ssettag $0x0;
	lr =	simm.s32 $0x1  }
0x2: {  	[smem:$0x3F97] =	sst lr;
	_ =	strace $0xD0000000  }
0x3: {  	_ = 	snop  }
0x4: {  	_ = 	snop  }
0x5: {  	_ = 	snop  }
0x6: {  	_ = 	snop  }
0x7: {  	_ = 	snop  }
__scs_overlays_trampoline_lowered:
0x8: {  	[smem:$0x3FA6] =	sst s0  }
0x9: {  	[smem:$0x3FA7] =	sst s1  }
0xa: {  	[smem:$0x3FA8] =	sst s2  }
0xb: {  	[smem:$0x3FA9] =	sst s3  }
0xc: {  	[smem:$0x3FAA] =	sst s4  }
0xd: {  	[smem:$0x3FAB] =	sst s5  }
0xe: {  	[smem:$0x3FAC] =	sst s6  }
0xf: {  	[smem:$0x3FAD] =	sst s7  }
0x10: {  	[smem:$0x3FAE] =	sst s8  }
0x11: {  	[smem:$0x3FAF] =	sst s9;
	s0 =	simm.s32 @!p0 $0x0  }
0x12: {  	s1 =	sld [smem:$0x3F95];
	s0 =	simm.s32 @p0 $0x1  }
0x13: {  	[smem:$0x3FB0] =	sst s0;
	s0 =	simm.s32 @!p1 $0x0  }
0x14: {  	s2 =	sld [smem:$0x3F94];
	s0 =	simm.s32 @p1 $0x1  }
0x15: {  	[smem:$0x3FB1] =	sst s0;
	s0 =	simm.s32 @!p2 $0x0  }
0x16: {  	s3 =	sld [smem:$0x3FDB];
	s0 =	simm.s32 @p2 $0x1  }
0x17: {  	s4 =	simm.s32 $0x1BF5;
	[smem:$0x3FB3] =	sst s0  }
0x18: {  	s0 =	sld [smem:$0x3F96];
	_ =	swait.ge [sflag:s4], $0x0  }
0x19: {  	s7 =	sld [smem:$0x3F97]  }
0x1a: {  	s8 =	sadd.s32 $0xFFFFE003, lr  }
0x1b: {  	s9 =	sadd.s32 $0xFFFFFEF7, lr;
	s5 =	simm.s32 $0xFFFFFFFF;
	p2 =	slt.u32 s8, $0xFFFFF086  }
0x1c: {  	p1 =	slt.u32 s9, $0xF7A;
	s5 =	simm.s32 @!p2 $0x0  }
0x1d: {  	s5 =	simm.s32 @p1 $0x1;
	p0 =	seq.s32 s7, s2  }
0x1e: {  	s7 =	smul.u32 @!p0 $0xF7A, s2;
	p2 =	seq.s32 @!p0 s5, $0x0  }
0x1f: {  	s9 =	smul.u32 $0xF7A, s1;
	s8 =	simm.s32 @!p0 $0x1BF5;
	p2 =	por !p2, p0  }
0x20: {  	[sflag:s8] =	ssyncset.s32 @!p0 $0xFFFFF086;
	s6 =	sadd.s32 @!p0 s3, s7;
	s7 =	simm.s32 @!p0 $0x108  }
0x21: {  	s3 =	sadd.s32 s3, s9;
	s6 =	sadd.s32 @!p0 $0x88, s6;
	s7 =	simm.s32 @p2 $0x1082  }
0x22: {  	[simem:s7], [sflag:s8] =	dma.local @!p0 [hbm:s6], $0xF7A  }
0x23: {  	s9 =	sor.u32 $0xD0000000, s2;
	s6 =	simm.s32 $0x108;
	_ =	swait.ge @!p0 [sflag:s8], $0x0  }
0x24: {  	s3 =	sadd.s32 $0x88, s3;
	s6 =	simm.s32 @!p1 $0x1082;
	[sflag:s4] =	ssyncset.s32 $0xFFFFF086  }
0x25: {  	[simem:s6], [sflag:s4] =	dma.local [hbm:s3], $0xF7A  }
0x26: {  	[smem:$0x3F97] =	sst s1;
	(tag) =	ssettag s2;
	_ =	strace s9  }
0x27: {  	s1 =	sld [smem:$0x3FA7]  }
0x28: {  	s2 =	sld [smem:$0x3FA8]  }
0x29: {  	s4 =	sld [smem:$0x3FAA]  }
0x2a: {  	p0 =	seq.s32 s5, $0x0;
	s5 =	sld [smem:$0x3FAB]  }
0x2b: {  	s6 =	sld [smem:$0x3FAC]  }
0x2c: {  	s7 =	sld [smem:$0x3FAD]  }
0x2d: {  	s3 =	simm.s32 $0x108;
	s8 =	sld [smem:$0x3FAE]  }
0x2e: {  	s3 =	simm.s32 @!p0 $0x1082;
	s9 =	sld [smem:$0x3FAF]  }
0x2f: {  	lr =	sadd.s32 s0, s3;
	s0 =	sld [smem:$0x3FA6]  }
0x30: {  	s3 =	sld [smem:$0x3FA9]  }
0x31: {  	[smem:$0x3FB2] =	sst s10  }
0x32: {  	s10 =	sld [smem:$0x3FB0];
	_ =	sdelay $0x3  }
0x33: {  	p0 =	seq.s32 s10, $0x1;
	s10 =	sld [smem:$0x3FB2];
	_ =	sdelay $0x3  }
0x34: {  	[smem:$0x3FB2] =	sst s10  }
0x35: {  	s10 =	sld [smem:$0x3FB1];
	_ =	sdelay $0x3  }
0x36: {  	p1 =	seq.s32 s10, $0x1;
	s10 =	sld [smem:$0x3FB2];
	_ =	sdelay $0x3  }
0x37: {  	[smem:$0x3FB2] =	sst s10  }
0x38: {  	s10 =	sld [smem:$0x3FB3]  }
0x39: {  	_ = 	snop;
	(pc) =	sbr.ind lr, $3  }
0x3a: {  	_ = 	snop  }
0x3b: {  	_ = 	snop  }
0x3c: {  	p2 =	seq.s32 s10, $0x1;
	s10 =	sld [smem:$0x3FB2]  }
0x3d: {  	_ =	shalt  }
0x3e: {  	_ =	shalt  }
0x3f: {  	_ =	shalt  }
0x40: {  	_ =	shalt  }
0x41: {  	_ =	shalt  }
0x42: {  	_ =	shalt  }
0x43: {  	_ =	shalt  }
0x44: {  	_ =	shalt  }
0x45: {  	_ =	shalt  }
0x46: {  	_ =	shalt  }
0x47: {  	_ =	shalt  }
0x48: {  	_ =	shalt  }
0x49: {  	_ =	shalt  }
0x4a: {  	_ =	shalt  }
0x4b: {  	_ =	shalt  }
0x4c: {  	_ =	shalt  }
0x4d: {  	_ =	shalt  }
0x4e: {  	_ =	shalt  }
0x4f: {  	_ =	shalt  }
0x50: {  	_ =	shalt  }
0x51: {  	_ =	shalt  }
0x52: {  	_ =	shalt  }
0x53: {  	_ =	shalt  }
0x54: {  	_ =	shalt  }
0x55: {  	_ =	shalt  }
0x56: {  	_ =	shalt  }
0x57: {  	_ =	shalt  }
0x58: {  	_ =	shalt  }
0x59: {  	_ =	shalt  }
0x5a: {  	_ =	shalt  }
0x5b: {  	_ =	shalt  }
0x5c: {  	_ =	shalt  }
0x5d: {  	_ =	shalt  }
0x5e: {  	_ =	shalt  }
0x5f: {  	_ =	shalt  }
0x60: {  	_ =	shalt  }
0x61: {  	_ =	shalt  }
0x62: {  	_ =	shalt  }
0x63: {  	_ =	shalt  }
0x64: {  	_ =	shalt  }
0x65: {  	_ =	shalt  }
0x66: {  	_ =	shalt  }
0x67: {  	_ =	shalt  }
0x68: {  	_ =	shalt  }
0x69: {  	_ =	shalt  }
0x6a: {  	_ =	shalt  }
0x6b: {  	_ =	shalt  }
0x6c: {  	_ =	shalt  }
0x6d: {  	_ =	shalt  }
0x6e: {  	_ =	shalt  }
0x6f: {  	_ =	shalt  }
0x70: {  	_ =	shalt  }
0x71: {  	_ =	shalt  }
0x72: {  	_ =	shalt  }
0x73: {  	_ =	shalt  }
0x74: {  	_ =	shalt  }
0x75: {  	_ =	shalt  }
0x76: {  	_ =	shalt  }
0x77: {  	_ =	shalt  }
0x78: {  	_ =	shalt  }
0x79: {  	_ =	shalt  }
0x7a: {  	_ =	shalt  }
0x7b: {  	_ =	shalt  }
0x7c: {  	_ =	shalt  }
0x7d: {  	_ =	shalt  }
0x7e: {  	_ =	shalt  }
0x7f: {  	_ =	shalt  }
0x80: {  	_ =	shalt  }
0x81: {  	_ =	shalt  }
0x82: {  	_ =	shalt  }
0x83: {  	_ =	shalt  }
0x84: {  	_ =	shalt  }
0x85: {  	_ =	shalt  }
0x86: {  	_ =	shalt  }
0x87: {  	_ =	shalt  }
.Lfunc_end0:
.L_simem_size_0:
called_computation.1_lowered:
.L_overlay_start_0:
0x88: {  	s2 =	sld [smem:$0x3FD9]  }
0x89: {  	s3 =	sld [smem:$0x3FFE];
	_ =	sdelay $0x1  }
0x8a: {  	s1 =	srdreg.scid  }
0x8b: {  	s0 =	sand.u32 $0x1, s1  }
0x8c: {  	s17 =	sshll.u32 s0, $0xA;
	s2 =	sadd.s32 s3, s2  }
0x8d: {  	s2 =	sadd.s32 s2, s17  }
0x8e: {  	[smem:$0x3FBE] =	sst s2  }
0x8f: {  	_ = 	snop  }
0x90: {  	s2 =	sld [smem:$0x3FD0];
	(tm) =	ssettm $0x1  }
0x91: {  	s18 =	sld [smem:$0x3FFB];
	_ =	sdelay $0x3  }
0x92: {  	_ =	strace s18  }
0x93: {  	s3 =	sld [smem:$0x3FFC];
	_ =	sdelay $0x3  }
0x94: {  	_ =	strace s3  }
0x95: {  	s3 =	sld [smem:$0x3FFD];
	_ =	sdelay $0x3  }
0x96: {  	_ =	strace s3  }
0x97: {  	_ =	strace $0x8FFFFFFF  }
0x98: {  	s19 =	sld [smem:$0x3FDB];
	_ =	sdelay $0x1  }
0x99: {  	s4 =	simm.s32 $_scs_section_size  }
0x9a: {  	s5 =	simm.s32 $_size__tile_overlayer_lowered;
	s6 =	simm.s32 $_tile_overlayer_lowered  }
0x9b: {  	s22 =	simm.s32 $0x1BFF;
	s21 =	sshll.u32 s6, $0x1;
	s3 =	sadd.s32 s4, s19  }
0x9c: {  	s7 =	simm.s32 $0x0;
	s20 =	sshll.u32 s5, $0x1;
	s5 =	sadd.s32 s21, s3  }
0x9d: {  	[timem:s7], [sflag:s22] =	dma.local [hbm:s5], s20  }
0x9e: {  	_ =	swait.ge [sflag:s22], s20  }
0x9f: {  	s4 =	ssub.s32 $0x0, s20;
	[sflag:s22] =	ssyncset.done $0x0  }
0xa0: {  	[sflag:s22] =	ssyncadd.s32 s4;
	_ =	sdelay $0x1  }
0xa1: {  	s23 =	simm.s32 $0x1B8B  }
0xa2: {  	_ =	swait.ge [sflag:s23], $0x1  }
0xa3: {  	[sflag:s23] =	ssyncset.done $0x0  }
0xa4: {  	s25 =	simm.s32 $0x1B8E;
	s24 =	sld [smem:$0x3FFE];
	[sflag:s23] =	ssyncadd.s32 $0xFFFFFFFF  }
0xa5: {  	s26 =	simm.s32 $execute0_lowered;
	[smem:$0x3FD2] =	sst s25  }
0xa6: {  	s5 =	sshll.u32 s26, $0x1;
	_ =	strace $0x80000049;
	[dreg:$0x1] =	wrdreg $0xFFFFFFFF  }
0xa7: {  	s28 =	simm.s32 $_size_execute0_lowered;
	s3 =	sadd.s32 s3, s5;
	[dreg:$0x0] =	wrdreg $0x0  }
0xa8: {  	s5 =	sshll.u32 s28, $0x1;
	[dreg:$0x2] =	wrdreg s3  }
0xa9: {  	[dreg:$0x3] =	wrdreg s5  }
0xaa: {  	[dreg:$0x4] =	wrdreg $0xC0  }
0xab: {  	_ =	task [dreg:s7], $0x5FFFF  }
0xac: {  	[dreg:$0x1] =	wrdreg $0xFFFFFFFF  }
0xad: {  	[dreg:$0x0] =	wrdreg $0x60  }
0xae: {  	[dreg:$0x2] =	wrdreg s2  }
0xaf: {  	[dreg:$0x3] =	wrdreg s24  }
0xb0: {  	[dreg:$0x4] =	wrdreg $0xAE000  }
0xb1: {  	[dreg:$0x5] =	wrdreg $0x9  }
0xb2: {  	_ =	task.clear_ibuf [dreg:s7], $0x6FFFF;
	_ =	strace $0x90000049  }
0xb3: {  	s29 =	simm.s32 $0x9;
	_ =	strace $0x8000004B  }
0xb4: {  	_ =	swait.ge [sflag:s29], $0x1  }
0xb5: {  	[sflag:s29] =	ssyncadd.s32 $0xFFFFFFFF  }
0xb6: {  	_ =	strace $0x9000004B  }
0xb7: {  	_ =	sfence  }
0xb8: {  	s30 =	sld [smem:$0x0];
	_ =	sdelay $0x2  }
0xb9: {  	s31 =	sshll.u32 s1, $0xD;
	s1 =	sshrl.u32 s1, $0x2  }
0xba: {  	s3 =	sand.u32 $0x4000, s31;
	s1 =	sadd.s32 s1, s30  }
0xbb: {  	s0 =	sor.u32 s3, s0;
	s1 =	sshll.u32 s1, $0x11  }
0xbc: {  	s0 =	sor.u32 s1, s0  }
0xbd: {  	s0 =	sadd.s32 $0x8F2B, s0  }
0xbe: {  	[sflag:s0] =	ssyncadd.remote.s32 $0x1  }
0xbf: {  	_ =	sfence.sel $0xFFFF  }
0xc0: {  	[dreg:$0x0] =	wrdreg $0xFFFFFFFF;
	(pc) =	sbr.abs _section_cstart, $3  }
0xc1: {  	[dreg:$0x1] =	wrdreg $0xFFFFFFFF  }
0xc2: {  	_ =	task.clear_ibuf [dreg:s7], $0x2FFFF;
	_ =	strace $0x9FFFFFFF  }
0xc3: {  	(tm) =	ssettm $0x7FFFFFFF  }
tec
execute0_lowered:
.L_overlay_start_1:
0x0: {  	(tag) =	ssettag $0x1  }
0x1: {  	s1 =	rddreg [dreg:$0x0]  }
0x2: {  	s2 =	srdreg.scid;
	s7 =	rddreg [dreg:$0x1]  }
0x3: {  	s0 =	stileid.u32;
	s3 =	rddreg [dreg:$0x2];
	s4 =	simm.s32 $0x0  }
0x4: {  	s13 =	simm.s32 $0x2C00;
	s14 =	simm.s32 $0x2E00;
	s15 =	simm.s32 $0x1  }
0x5: {  	s16 =	simm.s32 $0x2;
	s17 =	simm.s32 $0x2D00;
	s18 =	simm.s32 $0x6E00  }
0x6: {  	s19 =	simm.s32 $0x2C80;
	s20 =	simm.s32 $0x3;
	s21 =	simm.s32 $0x2D80  }
0x7: {  	s23 =	simm.s32 $0x0;
	s6 =	sand.u32 $0x1, s2;
	s9 =	smul.u32 $0x14000, s0  }
0x8: {  	s29 =	sshll.u32 s0, $0x1;
	[smem:$0x7FF] =	sst s4;
	s30 =	smul.u32 $0x50000, s0  }
0x9: {  	s22 =	sshll.u32 s0, $0x6;
	s2 =	sor.u32 s6, s29;
	s8 =	smul.u32 $0x140000, s6  }
0xa: {  	s6 =	ssub.s32 $0x2, s6;
	s5 =	smul.u32 $0x580, s2;
	s2 =	rddreg [dreg:$0x3]  }
0xb: {  	_ =	strace $0x8000004A;
	s31 =	sshrl.u32 s6, $0x1;
	s8 =	sadd.s32 s9, s8  }
0xc: {  	s9 =	sshrl.u32 s30, $0x2;
	s11 =	ssub.s32 s6, s31;
	s6 =	sor.u32 $0x1C01, s22  }
0xd: {  	s22 =	sor.u32 $0x1C04, s22;
	s10 =	sadd.s32 s5, s7;
	s5 =	sadd.s32 $0x5EA00, s7  }
0xe: {  	s8 =	sshrl.u32 s8, $0x3;
	s12 =	sadd.s32 s9, s3;
	s9 =	smax.u32 s11, $0x1  }
0xf: {  	s11 =	simm.s32 $0x4;
	s8 =	sadd.s32 s8, s7;
	s7 =	sadd.s32 $0x3200, s10  }
0x10: {  	s10 =	sshrl.u32 s12, $0x3;
	s12 =	simm.s32 $0x80;
	s8 =	sadd.s32 $0x61200, s8  }
.LBB2_1:
0x11: {  	[spmem:s10], [sflag:s6] =	dma.local [hbm:s5], $0x2800  }
0x12: {  	[tilespmem:s4], [sflag:$0x4] =	stream.linear.gather [hbm4b:s7+s4], $0x2900, $0x38;
	[tilespmem:$0x1EE00] =	vst v63  }
0x13: {  	_ =	swait.ge [sflag:s11], $0x2900  }
0x14: {  	[sflag:s11] =	ssyncset.done $0x0  }
0x15: {  	[sflag:s11] =	ssyncadd.s32 $0xFFFFD700  }
0x16: {  	v0 =	vld [tilespmem:$0x0];
	_ =	sdelay $0x1  }
0x17: {  	v1 =	vld [tilespmem:$0x10];
	_ =	sdelay $0x1  }
0x18: {  	v2 =	vld [tilespmem:$0x20]  }
0x19: {  	v3 =	vand.u32 $0xFFFF, v0  }
0x1a: {  	v0 =	vshrl.u32 v0, $0x10;
	[tilespmem:$0x2C00] =	vst v3;
	v3 =	vld [tilespmem:$0x30]  }
0x1b: {  	[tilespmem:$0x2C80] =	vst v0;
	v0 =	vand.u32 $0xFFFF, v1  }
0x1c: {  	[tilespmem:$0x2C10] =	vst v0;
	v0 =	vshrl.u32 v1, $0x10;
	v1 =	vld [tilespmem:$0x40]  }
0x1d: {  	[tilespmem:$0x2C90] =	vst v0;
	v0 =	vand.u32 $0xFFFF, v2  }
0x1e: {  	[tilespmem:$0x2C20] =	vst v0;
	v0 =	vshrl.u32 v2, $0x10;
	v2 =	vld [tilespmem:$0x50]  }
0x1f: {  	[tilespmem:$0x2CA0] =	vst v0;
	v0 =	vand.u32 $0xFFFF, v3  }
0x20: {  	[tilespmem:$0x2C30] =	vst v0;
	v0 =	vshrl.u32 v3, $0x10;
	v3 =	vld [tilespmem:$0x60]  }
0x21: {  	[tilespmem:$0x2CB0] =	vst v0;
	v0 =	vand.u32 $0xFFFF, v1  }
0x22: {  	[tilespmem:$0x2C40] =	vst v0;
	v0 =	vshrl.u32 v1, $0x10;
	v1 =	vld [tilespmem:$0x70]  }
0x23: {  	[tilespmem:$0x2CC0] =	vst v0;
	v0 =	vand.u32 $0xFFFF, v2  }
0x24: {  	[tilespmem:$0x2C50] =	vst v0;
	v0 =	vshrl.u32 v2, $0x10  }
0x25: {  	[tilespmem:$0x2CD0] =	vst v0;
	v0 =	vand.u32 $0xFFFF, v3  }
0x26: {  	[tilespmem:$0x2C60] =	vst v0;
	v0 =	vshrl.u32 v3, $0x10  }
0x27: {  	[tilespmem:$0x2CE0] =	vst v0;
	v0 =	vand.u32 $0xFFFF, v1  }
0x28: {  	[tilespmem:$0x2C70] =	vst v0;
	v0 =	vshrl.u32 v1, $0x10  }
0x29: {  	[tilespmem:$0x2CF0] =	vst v0  }
0x2a: {  	[tilespmem:s14], [sflag:$0x2] =	stream.indirect.gather [hbm4b:s1+s12], $0x80, s13, s12, $0xb8;
	[tilespmem:$0x1EE00] =	vst v63  }
0x2b: {  	_ =	swait.ge [sflag:s15], $0x2800  }
0x2c: {  	[sflag:s15] =	ssyncset.done $0x0  }
0x2d: {  	[sflag:s15] =	ssyncadd.s32 $0xFFFFD800  }
0x2e: {  	s24 =	simm.s32 $0x0;
	[bflag:$0x0] =	sbarrier.arrive $0xFFFF  }
0x2f: {  	v0 =	vld [tilespmem:s24+$0x80];
	_ =	sdelay $0x4  }
0x30: {  	v1 =	vand.u32 $0xFFFF, v0  }
0x31: {  	v0 =	vshrl.u32 v0, $0x10;
	[tilespmem:$0x2D00] =	vst v1  }
0x32: {  	[tilespmem:$0x2D80] =	vst v0  }
0x33: {  	v0 =	vld [tilespmem:s24+$0x90];
	_ =	sdelay $0x4  }
0x34: {  	v1 =	vand.u32 $0xFFFF, v0  }
0x35: {  	v0 =	vshrl.u32 v0, $0x10;
	[tilespmem:$0x2D10] =	vst v1  }
0x36: {  	[tilespmem:$0x2D90] =	vst v0  }
0x37: {  	v0 =	vld [tilespmem:s24+$0xA0];
	_ =	sdelay $0x4  }
0x38: {  	v1 =	vand.u32 $0xFFFF, v0  }
0x39: {  	v0 =	vshrl.u32 v0, $0x10;
	[tilespmem:$0x2D20] =	vst v1  }
0x3a: {  	[tilespmem:$0x2DA0] =	vst v0  }
0x3b: {  	v0 =	vld [tilespmem:s24+$0xB0];
	_ =	sdelay $0x4  }
0x3c: {  	v1 =	vand.u32 $0xFFFF, v0  }
0x3d: {  	v0 =	vshrl.u32 v0, $0x10;
	[tilespmem:$0x2D30] =	vst v1  }
0x3e: {  	[tilespmem:$0x2DB0] =	vst v0  }
0x3f: {  	v0 =	vld [tilespmem:s24+$0xC0];
	_ =	sdelay $0x4  }
0x40: {  	v1 =	vand.u32 $0xFFFF, v0  }
0x41: {  	v0 =	vshrl.u32 v0, $0x10;
	[tilespmem:$0x2D40] =	vst v1  }
0x42: {  	[tilespmem:$0x2DC0] =	vst v0  }
0x43: {  	v0 =	vld [tilespmem:s24+$0xD0];
	_ =	sdelay $0x4  }
0x44: {  	v1 =	vand.u32 $0xFFFF, v0  }
0x45: {  	v0 =	vshrl.u32 v0, $0x10;
	[tilespmem:$0x2D50] =	vst v1  }
0x46: {  	[tilespmem:$0x2DD0] =	vst v0  }
0x47: {  	v0 =	vld [tilespmem:s24+$0xE0];
	_ =	sdelay $0x4  }
0x48: {  	v1 =	vand.u32 $0xFFFF, v0  }
0x49: {  	v0 =	vshrl.u32 v0, $0x10;
	[tilespmem:$0x2D60] =	vst v1  }
0x4a: {  	[tilespmem:$0x2DE0] =	vst v0  }
0x4b: {  	v0 =	vld [tilespmem:s24+$0xF0];
	_ =	sdelay $0x4  }
0x4c: {  	v1 =	vand.u32 $0xFFFF, v0  }
0x4d: {  	v0 =	vshrl.u32 v0, $0x10;
	[tilespmem:$0x2D70] =	vst v1  }
0x4e: {  	[tilespmem:$0x2DF0] =	vst v0  }
0x4f: {  	_ =	swait.ge [sflag:s16], $0x4000  }
0x50: {  	[sflag:s16] =	ssyncset.done $0x0  }
0x51: {  	[sflag:s16] =	ssyncadd.s32 $0xFFFFC000  }
0x52: {  	[tilespmem:s18], [sflag:$0x3] =	stream.indirect.gather [hbm4b:s1+s12], $0x80, s17, s12, $0xb8;
	[tilespmem:$0x1EE00] =	vst v63  }
0x53: {  	_ = 	snop  }
0x54: {  	[spmem:s3] =	stream.indirect.scatter.add.f32 [tilespmem:s14], [sflag:$0x4], $0x80, s19, s12, $0xb8;
	[tilespmem:$0x1EE00] =	vst v63  }
0x55: {  	_ =	swait.ge [sflag:s11], $0x4000  }
0x56: {  	p1 =	por $0x0, $0x0;
	[sflag:s11] =	ssyncset.done $0x0  }
0x57: {  	s25 =	simm.s32 @!p1 $0x0;
	[sflag:s11] =	ssyncadd.s32 $0xFFFFC000  }
0x58: {  	v0 =	vld @!p1 [tilespmem:s25+$0x100];
	_ =	sdelay $0x4  }
0x59: {  	v1 =	vand.u32 @!p1 $0xFFFF, v0  }
0x5a: {  	v0 =	vshrl.u32 @!p1 v0, $0x10;
	[tilespmem:$0x2C00] =	vst @!p1 v1  }
0x5b: {  	[tilespmem:$0x2C80] =	vst @!p1 v0  }
0x5c: {  	v0 =	vld @!p1 [tilespmem:s25+$0x110];
	_ =	sdelay $0x4  }
0x5d: {  	v1 =	vand.u32 @!p1 $0xFFFF, v0  }
0x5e: {  	v0 =	vshrl.u32 @!p1 v0, $0x10;
	[tilespmem:$0x2C10] =	vst @!p1 v1  }
0x5f: {  	[tilespmem:$0x2C90] =	vst @!p1 v0  }
0x60: {  	v0 =	vld @!p1 [tilespmem:s25+$0x120];
	_ =	sdelay $0x4  }
0x61: {  	v1 =	vand.u32 @!p1 $0xFFFF, v0  }
0x62: {  	v0 =	vshrl.u32 @!p1 v0, $0x10;
	[tilespmem:$0x2C20] =	vst @!p1 v1  }
0x63: {  	[tilespmem:$0x2CA0] =	vst @!p1 v0  }
0x64: {  	v0 =	vld @!p1 [tilespmem:s25+$0x130];
	_ =	sdelay $0x4  }
0x65: {  	v1 =	vand.u32 @!p1 $0xFFFF, v0  }
0x66: {  	v0 =	vshrl.u32 @!p1 v0, $0x10;
	[tilespmem:$0x2C30] =	vst @!p1 v1  }
0x67: {  	[tilespmem:$0x2CB0] =	vst @!p1 v0  }
0x68: {  	v0 =	vld @!p1 [tilespmem:s25+$0x140];
	_ =	sdelay $0x4  }
0x69: {  	v1 =	vand.u32 @!p1 $0xFFFF, v0  }
0x6a: {  	v0 =	vshrl.u32 @!p1 v0, $0x10;
	[tilespmem:$0x2C40] =	vst @!p1 v1  }
0x6b: {  	[tilespmem:$0x2CC0] =	vst @!p1 v0  }
0x6c: {  	v0 =	vld @!p1 [tilespmem:s25+$0x150];
	_ =	sdelay $0x4  }
0x6d: {  	v1 =	vand.u32 @!p1 $0xFFFF, v0  }
0x6e: {  	v0 =	vshrl.u32 @!p1 v0, $0x10;
	[tilespmem:$0x2C50] =	vst @!p1 v1  }
0x6f: {  	[tilespmem:$0x2CD0] =	vst @!p1 v0  }
0x70: {  	v0 =	vld @!p1 [tilespmem:s25+$0x160];
	_ =	sdelay $0x4  }
0x71: {  	s28 =	simm.s32 @!p1 $0x80;
	v1 =	vand.u32 @!p1 $0xFFFF, v0  }
0x72: {  	s29 =	simm.s32 @!p1 $0x2C00;
	s30 =	simm.s32 @!p1 $0x2E00;
	s24 =	simm.s32 $0x400;
	v0 =	vshrl.u32 @!p1 v0, $0x10;
	[tilespmem:$0x2C60] =	vst @!p1 v1  }
.LBB2_2:
0x73: {  	[tilespmem:$0x2CE0] =	vst @!p1 v0;
	s26 =	smov.u32 s24;
	s24 =	sadd.s32 $0x400, s24  }
0x74: {  	p0 =	sne.s32 s24, $0xA400;
	v0 =	vld @!p1 [tilespmem:s25+$0x170];
	_ =	sdelay $0x4  }
0x75: {  	v1 =	vand.u32 @!p1 $0xFFFF, v0;
	v0 =	vshrl.u32 @!p1 v0, $0x10  }
0x76: {  	[tilespmem:$0x2C70] =	vst @!p1 v1  }
0x77: {  	[tilespmem:$0x2CF0] =	vst @!p1 v0  }
0x78: {  	[tilespmem:s30], [sflag:$0x2] =	stream.indirect.gather @!p1 [hbm4b:s1+s28], $0x80, s29, s28, $0xb8;
	[tilespmem:$0x1EE00] =	vst v63  }
0x79: {  	_ =	swait.ge [sflag:s20], $0x4000  }
0x7a: {  	[sflag:s20] =	ssyncset.done $0x0  }
0x7b: {  	[sflag:s20] =	ssyncadd.s32 $0xFFFFC000  }
0x7c: {  	[spmem:s3] =	stream.indirect.scatter.add.f32 [tilespmem:s18], [sflag:$0x4], $0x80, s21, s12, $0xb8;
	[tilespmem:$0x1EE00] =	vst v63  }
0x7d: {  	_ =	swait.ge [sflag:s11], $0x4000  }
0x7e: {  	[sflag:s11] =	ssyncset.done $0x0  }
0x7f: {  	s25 =	sshra.s32 s26, $0x2;
	[sflag:s11] =	ssyncadd.s32 $0xFFFFC000  }
0x80: {  	v0 =	vld [tilespmem:s25+$0x80];
	_ =	sdelay $0x4  }
0x81: {  	v1 =	vand.u32 $0xFFFF, v0;
	v0 =	vshrl.u32 v0, $0x10  }
0x82: {  	[tilespmem:$0x2D00] =	vst v1  }
0x83: {  	[tilespmem:$0x2D80] =	vst v0  }
0x84: {  	v0 =	vld [tilespmem:s25+$0x90];
	_ =	sdelay $0x4  }
0x85: {  	v1 =	vand.u32 $0xFFFF, v0;
	v0 =	vshrl.u32 v0, $0x10  }
0x86: {  	[tilespmem:$0x2D10] =	vst v1  }
0x87: {  	[tilespmem:$0x2D90] =	vst v0  }
0x88: {  	v0 =	vld [tilespmem:s25+$0xA0];
	_ =	sdelay $0x4  }
0x89: {  	v1 =	vand.u32 $0xFFFF, v0;
	v0 =	vshrl.u32 v0, $0x10  }
0x8a: {  	[tilespmem:$0x2D20] =	vst v1  }
0x8b: {  	[tilespmem:$0x2DA0] =	vst v0  }
0x8c: {  	v0 =	vld [tilespmem:s25+$0xB0];
	_ =	sdelay $0x4  }
0x8d: {  	v1 =	vand.u32 $0xFFFF, v0;
	v0 =	vshrl.u32 v0, $0x10  }
0x8e: {  	[tilespmem:$0x2D30] =	vst v1  }
0x8f: {  	[tilespmem:$0x2DB0] =	vst v0  }
0x90: {  	v0 =	vld [tilespmem:s25+$0xC0];
	_ =	sdelay $0x4  }
0x91: {  	v1 =	vand.u32 $0xFFFF, v0;
	v0 =	vshrl.u32 v0, $0x10  }
0x92: {  	[tilespmem:$0x2D40] =	vst v1  }
0x93: {  	[tilespmem:$0x2DC0] =	vst v0  }
0x94: {  	v0 =	vld [tilespmem:s25+$0xD0];
	_ =	sdelay $0x4  }
0x95: {  	v1 =	vand.u32 $0xFFFF, v0;
	v0 =	vshrl.u32 v0, $0x10  }
0x96: {  	[tilespmem:$0x2D50] =	vst v1  }
0x97: {  	[tilespmem:$0x2DD0] =	vst v0  }
0x98: {  	v0 =	vld [tilespmem:s25+$0xE0];
	_ =	sdelay $0x4  }
0x99: {  	v1 =	vand.u32 $0xFFFF, v0;
	v0 =	vshrl.u32 v0, $0x10  }
0x9a: {  	[tilespmem:$0x2D60] =	vst v1  }
0x9b: {  	[tilespmem:$0x2DE0] =	vst v0  }
0x9c: {  	v0 =	vld [tilespmem:s25+$0xF0];
	_ =	sdelay $0x4  }
0x9d: {  	v1 =	vand.u32 $0xFFFF, v0;
	v0 =	vshrl.u32 v0, $0x10  }
0x9e: {  	[tilespmem:$0x2D70] =	vst v1  }
0x9f: {  	p1 =	seq.s32 s26, $0xA000;
	[tilespmem:$0x2DF0] =	vst v0  }
0xa0: {  	s25 =	sshra.s32 @!p1 s26, $0x2;
	_ =	swait.ge [sflag:s16], $0x4000  }
0xa1: {  	[sflag:s16] =	ssyncset.done $0x0  }
0xa2: {  	[sflag:s16] =	ssyncadd.s32 $0xFFFFC000  }
0xa3: {  	[tilespmem:s18], [sflag:$0x3] =	stream.indirect.gather [hbm4b:s1+s12], $0x80, s17, s12, $0xb8;
	[tilespmem:$0x1EE00] =	vst v63  }
0xa4: {  	_ = 	snop  }
0xa5: {  	[spmem:s3] =	stream.indirect.scatter.add.f32 [tilespmem:s14], [sflag:$0x4], $0x80, s19, s12, $0xb8;
	[tilespmem:$0x1EE00] =	vst v63  }
0xa6: {  	_ =	swait.ge [sflag:s11], $0x4000  }
0xa7: {  	[sflag:s11] =	ssyncset.done $0x0  }
0xa8: {  	[sflag:s11] =	ssyncadd.s32 $0xFFFFC000  }
0xa9: {  	v0 =	vld @!p1 [tilespmem:s25+$0x100];
	_ =	sdelay $0x4  }
0xaa: {  	v1 =	vand.u32 @!p1 $0xFFFF, v0;
	v0 =	vshrl.u32 @!p1 v0, $0x10  }
0xab: {  	[tilespmem:$0x2C00] =	vst @!p1 v1  }
0xac: {  	[tilespmem:$0x2C80] =	vst @!p1 v0  }
0xad: {  	v0 =	vld @!p1 [tilespmem:s25+$0x110];
	_ =	sdelay $0x4  }
0xae: {  	v1 =	vand.u32 @!p1 $0xFFFF, v0;
	v0 =	vshrl.u32 @!p1 v0, $0x10  }
0xaf: {  	[tilespmem:$0x2C10] =	vst @!p1 v1  }
0xb0: {  	[tilespmem:$0x2C90] =	vst @!p1 v0  }
0xb1: {  	v0 =	vld @!p1 [tilespmem:s25+$0x120];
	_ =	sdelay $0x4  }
0xb2: {  	v1 =	vand.u32 @!p1 $0xFFFF, v0;
	v0 =	vshrl.u32 @!p1 v0, $0x10  }
0xb3: {  	[tilespmem:$0x2C20] =	vst @!p1 v1  }
0xb4: {  	[tilespmem:$0x2CA0] =	vst @!p1 v0  }
0xb5: {  	v0 =	vld @!p1 [tilespmem:s25+$0x130];
	_ =	sdelay $0x4  }
0xb6: {  	v1 =	vand.u32 @!p1 $0xFFFF, v0;
	v0 =	vshrl.u32 @!p1 v0, $0x10  }
0xb7: {  	[tilespmem:$0x2C30] =	vst @!p1 v1  }
0xb8: {  	[tilespmem:$0x2CB0] =	vst @!p1 v0  }
0xb9: {  	v0 =	vld @!p1 [tilespmem:s25+$0x140];
	_ =	sdelay $0x4  }
0xba: {  	v1 =	vand.u32 @!p1 $0xFFFF, v0;
	v0 =	vshrl.u32 @!p1 v0, $0x10  }
0xbb: {  	[tilespmem:$0x2C40] =	vst @!p1 v1  }
0xbc: {  	[tilespmem:$0x2CC0] =	vst @!p1 v0  }
0xbd: {  	v0 =	vld @!p1 [tilespmem:s25+$0x150];
	_ =	sdelay $0x4  }
0xbe: {  	v1 =	vand.u32 @!p1 $0xFFFF, v0;
	v0 =	vshrl.u32 @!p1 v0, $0x10  }
0xbf: {  	[tilespmem:$0x2C50] =	vst @!p1 v1  }
0xc0: {  	s28 =	simm.s32 @!p1 $0x80;
	s29 =	simm.s32 @!p1 $0x2C00;
	s30 =	simm.s32 @!p1 $0x2E00;
	[tilespmem:$0x2CD0] =	vst @!p1 v0  }
0xc1: {  	v0 =	vld @!p1 [tilespmem:s25+$0x160];
	_ =	sdelay $0x1  }
.Ltmp0:
0xc2: {  	(pc) =	sbr.rel @p0 .LBB2_2-.Ltmp0, $3  }
0xc3: {  	_ =	sdelay $0x1  }
0xc4: {  	v1 =	vand.u32 @!p1 $0xFFFF, v0;
	v0 =	vshrl.u32 @!p1 v0, $0x10  }
0xc5: {  	[tilespmem:$0x2C60] =	vst @!p1 v1  }
0xc6: {  	[tilespmem:$0x2CE0] =	vst @!p1 v0  }
0xc7: {  	v0 =	vld @!p1 [tilespmem:s25+$0x170];
	_ =	sdelay $0x4  }
0xc8: {  	v1 =	vand.u32 @!p1 $0xFFFF, v0  }
0xc9: {  	v0 =	vshrl.u32 @!p1 v0, $0x10;
	[tilespmem:$0x2C70] =	vst @!p1 v1  }
0xca: {  	[tilespmem:$0x2CF0] =	vst @!p1 v0  }
0xcb: {  	[tilespmem:s30], [sflag:$0x2] =	stream.indirect.gather @!p1 [hbm4b:s1+s28], $0x80, s29, s28, $0xb8;
	[tilespmem:$0x1EE00] =	vst v63  }
0xcc: {  	_ =	swait.ge [sflag:s20], $0x4000  }
0xcd: {  	[sflag:s20] =	ssyncset.done $0x0  }
0xce: {  	[sflag:s20] =	ssyncadd.s32 $0xFFFFC000  }
0xcf: {  	[spmem:s3] =	stream.indirect.scatter.add.f32 [tilespmem:s18], [sflag:$0x4], $0x80, s21, s12, $0xb8;
	[tilespmem:$0x1EE00] =	vst v63  }
0xd0: {  	_ =	swait.ge [sflag:s11], $0x4000  }
0xd1: {  	s23 =	sadd.s32 $0x1, s23;
	[sflag:s11] =	ssyncset.done $0x0  }
0xd2: {  	p0 =	sne.s32 s23, s9;
	[sflag:s11] =	ssyncadd.s32 $0xFFFFC000  }
.Ltmp1:
0xd3: {  	[bflag:$0x0] =	sbarrier.arrive $0xFFFF;
	(pc) =	sbr.rel @p0 .LBB2_1-.Ltmp1, $4  }
0xd4: {  	[hbm:s8], [sflag:s22] =	dma.local [spmem:s10], $0x2800  }
0xd5: {  	_ =	swait.ge [sflag:s11], $0x2800  }
0xd6: {  	[sflag:s11] =	ssyncset.done $0x0  }
0xd7: {  	[sflag:s11] =	ssyncadd.s32 $0xFFFFD800  }
0xd8: {  	_ =	sfence.sel $0x180000  }
0xd9: {  	[bflag:$0x0] =	sbarrier.arrive $0xFFFF  }
0xda: {  	p0 =	sne.s32 s0, $0x0;
	_ =	strace $0x9000004A  }
0xdb: {  	s0 =	sadd.s32 @!p0 $0x100000, s2;
	[bflag:$0x2] =	sbarrier.arrive $0xFFFF  }
0xdc: {  	[sflag:s0] =	ssyncadd.tile.s32 @!p0 $0x1;
	_ =	shalt  }
.Lfunc_end2:
_tile_overlayer_lowered:
.L_overlay_start_2:
0xdd: {  	(tag) =	ssettag $0x2  }
0xde: {  	s0 =	rddreg [dreg:$0x0];
	s2 =	stileid.u32  }
0xdf: {  	s1 =	rddreg [dreg:$0x1];
	p0 =	sne.s32 s2, $0x0  }
0xe0: {  	s3 =	rddreg [dreg:$0x2];
	[bflag:$0x3] =	sbarrier.arrive $0xFFFF;
	s2 =	simm.s32 @!p0 $0x1C04  }
0xe1: {  	[timem:s3], [sflag:s2] =	dma.local @!p0 [hbm:s0], s1  }
0xe2: {  	s0 =	simm.s32 @!p0 $0x4  }
0xe3: {  	_ =	swait.ge @!p0 [sflag:s0], s1  }
0xe4: {  	s1 =	ssub.s32 @!p0 $0x0, s1;
	[sflag:s0] =	ssyncset.done @!p0 $0x0  }
0xe5: {  	[sflag:s0] =	ssyncadd.s32 @!p0 s1  }
0xe6: {  	[bflag:$0x3] =	sbarrier.arrive $0xFFFF  }
0xe7: {  	_ =	shalt  }

// kernel: kernel.14.cloned.1.call-start
scs
__scs_entry_jumppad:
0x0: {  	(pc) =	sbr.rel $0x88, $3  }
0x1: {  	(tag) =	ssettag $0x0;
	lr =	simm.s32 $0x1  }
0x2: {  	[smem:$0x3F97] =	sst lr;
	_ =	strace $0xD0000000  }
0x3: {  	_ = 	snop  }
0x4: {  	_ = 	snop  }
0x5: {  	_ = 	snop  }
0x6: {  	_ = 	snop  }
0x7: {  	_ = 	snop  }
__scs_overlays_trampoline_lowered:
0x8: {  	[smem:$0x3FA6] =	sst s0  }
0x9: {  	[smem:$0x3FA7] =	sst s1  }
0xa: {  	[smem:$0x3FA8] =	sst s2  }
0xb: {  	[smem:$0x3FA9] =	sst s3  }
0xc: {  	[smem:$0x3FAA] =	sst s4  }
0xd: {  	[smem:$0x3FAB] =	sst s5  }
0xe: {  	[smem:$0x3FAC] =	sst s6  }
0xf: {  	[smem:$0x3FAD] =	sst s7  }
0x10: {  	[smem:$0x3FAE] =	sst s8  }
0x11: {  	[smem:$0x3FAF] =	sst s9;
	s0 =	simm.s32 @!p0 $0x0  }
0x12: {  	s1 =	sld [smem:$0x3F95];
	s0 =	simm.s32 @p0 $0x1  }
0x13: {  	[smem:$0x3FB0] =	sst s0;
	s0 =	simm.s32 @!p1 $0x0  }
0x14: {  	s2 =	sld [smem:$0x3F94];
	s0 =	simm.s32 @p1 $0x1  }
0x15: {  	[smem:$0x3FB1] =	sst s0;
	s0 =	simm.s32 @!p2 $0x0  }
0x16: {  	s3 =	sld [smem:$0x3FDB];
	s0 =	simm.s32 @p2 $0x1  }
0x17: {  	s4 =	simm.s32 $0x1BF5;
	[smem:$0x3FB3] =	sst s0  }
0x18: {  	s0 =	sld [smem:$0x3F96];
	_ =	swait.ge [sflag:s4], $0x0  }
0x19: {  	s7 =	sld [smem:$0x3F97]  }
0x1a: {  	s8 =	sadd.s32 $0xFFFFE003, lr  }
0x1b: {  	s9 =	sadd.s32 $0xFFFFFEF7, lr;
	s5 =	simm.s32 $0xFFFFFFFF;
	p2 =	slt.u32 s8, $0xFFFFF086  }
0x1c: {  	p1 =	slt.u32 s9, $0xF7A;
	s5 =	simm.s32 @!p2 $0x0  }
0x1d: {  	s5 =	simm.s32 @p1 $0x1;
	p0 =	seq.s32 s7, s2  }
0x1e: {  	s7 =	smul.u32 @!p0 $0xF7A, s2;
	p2 =	seq.s32 @!p0 s5, $0x0  }
0x1f: {  	s9 =	smul.u32 $0xF7A, s1;
	s8 =	simm.s32 @!p0 $0x1BF5;
	p2 =	por !p2, p0  }
0x20: {  	[sflag:s8] =	ssyncset.s32 @!p0 $0xFFFFF086;
	s6 =	sadd.s32 @!p0 s3, s7;
	s7 =	simm.s32 @!p0 $0x108  }
0x21: {  	s3 =	sadd.s32 s3, s9;
	s6 =	sadd.s32 @!p0 $0x88, s6;
	s7 =	simm.s32 @p2 $0x1082  }
0x22: {  	[simem:s7], [sflag:s8] =	dma.local @!p0 [hbm:s6], $0xF7A  }
0x23: {  	s9 =	sor.u32 $0xD0000000, s2;
	s6 =	simm.s32 $0x108;
	_ =	swait.ge @!p0 [sflag:s8], $0x0  }
0x24: {  	s3 =	sadd.s32 $0x88, s3;
	s6 =	simm.s32 @!p1 $0x1082;
	[sflag:s4] =	ssyncset.s32 $0xFFFFF086  }
0x25: {  	[simem:s6], [sflag:s4] =	dma.local [hbm:s3], $0xF7A  }
0x26: {  	[smem:$0x3F97] =	sst s1;
	(tag) =	ssettag s2;
	_ =	strace s9  }
0x27: {  	s1 =	sld [smem:$0x3FA7]  }
0x28: {  	s2 =	sld [smem:$0x3FA8]  }
0x29: {  	s4 =	sld [smem:$0x3FAA]  }
0x2a: {  	p0 =	seq.s32 s5, $0x0;
	s5 =	sld [smem:$0x3FAB]  }
0x2b: {  	s6 =	sld [smem:$0x3FAC]  }
0x2c: {  	s7 =	sld [smem:$0x3FAD]  }
0x2d: {  	s3 =	simm.s32 $0x108;
	s8 =	sld [smem:$0x3FAE]  }
0x2e: {  	s3 =	simm.s32 @!p0 $0x1082;
	s9 =	sld [smem:$0x3FAF]  }
0x2f: {  	lr =	sadd.s32 s0, s3;
	s0 =	sld [smem:$0x3FA6]  }
0x30: {  	s3 =	sld [smem:$0x3FA9]  }
0x31: {  	[smem:$0x3FB2] =	sst s10  }
0x32: {  	s10 =	sld [smem:$0x3FB0];
	_ =	sdelay $0x3  }
0x33: {  	p0 =	seq.s32 s10, $0x1;
	s10 =	sld [smem:$0x3FB2];
	_ =	sdelay $0x3  }
0x34: {  	[smem:$0x3FB2] =	sst s10  }
0x35: {  	s10 =	sld [smem:$0x3FB1];
	_ =	sdelay $0x3  }
0x36: {  	p1 =	seq.s32 s10, $0x1;
	s10 =	sld [smem:$0x3FB2];
	_ =	sdelay $0x3  }
0x37: {  	[smem:$0x3FB2] =	sst s10  }
0x38: {  	s10 =	sld [smem:$0x3FB3]  }
0x39: {  	_ = 	snop;
	(pc) =	sbr.ind lr, $3  }
0x3a: {  	_ = 	snop  }
0x3b: {  	_ = 	snop  }
0x3c: {  	p2 =	seq.s32 s10, $0x1;
	s10 =	sld [smem:$0x3FB2]  }
0x3d: {  	_ =	shalt  }
0x3e: {  	_ =	shalt  }
0x3f: {  	_ =	shalt  }
0x40: {  	_ =	shalt  }
0x41: {  	_ =	shalt  }
0x42: {  	_ =	shalt  }
0x43: {  	_ =	shalt  }
0x44: {  	_ =	shalt  }
0x45: {  	_ =	shalt  }
0x46: {  	_ =	shalt  }
0x47: {  	_ =	shalt  }
0x48: {  	_ =	shalt  }
0x49: {  	_ =	shalt  }
0x4a: {  	_ =	shalt  }
0x4b: {  	_ =	shalt  }
0x4c: {  	_ =	shalt  }
0x4d: {  	_ =	shalt  }
0x4e: {  	_ =	shalt  }
0x4f: {  	_ =	shalt  }
0x50: {  	_ =	shalt  }
0x51: {  	_ =	shalt  }
0x52: {  	_ =	shalt  }
0x53: {  	_ =	shalt  }
0x54: {  	_ =	shalt  }
0x55: {  	_ =	shalt  }
0x56: {  	_ =	shalt  }
0x57: {  	_ =	shalt  }
0x58: {  	_ =	shalt  }
0x59: {  	_ =	shalt  }
0x5a: {  	_ =	shalt  }
0x5b: {  	_ =	shalt  }
0x5c: {  	_ =	shalt  }
0x5d: {  	_ =	shalt  }
0x5e: {  	_ =	shalt  }
0x5f: {  	_ =	shalt  }
0x60: {  	_ =	shalt  }
0x61: {  	_ =	shalt  }
0x62: {  	_ =	shalt  }
0x63: {  	_ =	shalt  }
0x64: {  	_ =	shalt  }
0x65: {  	_ =	shalt  }
0x66: {  	_ =	shalt  }
0x67: {  	_ =	shalt  }
0x68: {  	_ =	shalt  }
0x69: {  	_ =	shalt  }
0x6a: {  	_ =	shalt  }
0x6b: {  	_ =	shalt  }
0x6c: {  	_ =	shalt  }
0x6d: {  	_ =	shalt  }
0x6e: {  	_ =	shalt  }
0x6f: {  	_ =	shalt  }
0x70: {  	_ =	shalt  }
0x71: {  	_ =	shalt  }
0x72: {  	_ =	shalt  }
0x73: {  	_ =	shalt  }
0x74: {  	_ =	shalt  }
0x75: {  	_ =	shalt  }
0x76: {  	_ =	shalt  }
0x77: {  	_ =	shalt  }
0x78: {  	_ =	shalt  }
0x79: {  	_ =	shalt  }
0x7a: {  	_ =	shalt  }
0x7b: {  	_ =	shalt  }
0x7c: {  	_ =	shalt  }
0x7d: {  	_ =	shalt  }
0x7e: {  	_ =	shalt  }
0x7f: {  	_ =	shalt  }
0x80: {  	_ =	shalt  }
0x81: {  	_ =	shalt  }
0x82: {  	_ =	shalt  }
0x83: {  	_ =	shalt  }
0x84: {  	_ =	shalt  }
0x85: {  	_ =	shalt  }
0x86: {  	_ =	shalt  }
0x87: {  	_ =	shalt  }
.Lfunc_end0:
.L_simem_size_0:
called_computation.2_lowered:
.L_overlay_start_0:
0x88: {  	s2 =	sld [smem:$0x3FD9]  }
0x89: {  	s3 =	sld [smem:$0x3FFE];
	_ =	sdelay $0x1  }
0x8a: {  	s1 =	srdreg.scid  }
0x8b: {  	s0 =	sand.u32 $0x1, s1  }
0x8c: {  	s17 =	sshll.u32 s0, $0xA;
	s2 =	sadd.s32 s3, s2  }
0x8d: {  	s2 =	sadd.s32 s2, s17  }
0x8e: {  	[smem:$0x3FBE] =	sst s2  }
0x8f: {  	_ = 	snop  }
0x90: {  	s2 =	sld [smem:$0x3FD0];
	(tm) =	ssettm $0x1  }
0x91: {  	s18 =	sld [smem:$0x3FFB];
	_ =	sdelay $0x3  }
0x92: {  	_ =	strace s18  }
0x93: {  	s3 =	sld [smem:$0x3FFC];
	_ =	sdelay $0x3  }
0x94: {  	_ =	strace s3  }
0x95: {  	s3 =	sld [smem:$0x3FFD];
	_ =	sdelay $0x3  }
0x96: {  	_ =	strace s3  }
0x97: {  	_ =	strace $0x8FFFFFFF  }
0x98: {  	s19 =	sld [smem:$0x3FDB];
	_ =	sdelay $0x1  }
0x99: {  	s4 =	simm.s32 $_scs_section_size  }
0x9a: {  	s5 =	simm.s32 $_size__tile_overlayer_lowered;
	s6 =	simm.s32 $_tile_overlayer_lowered  }
0x9b: {  	s22 =	simm.s32 $0x1BFF;
	s21 =	sshll.u32 s6, $0x1;
	s3 =	sadd.s32 s4, s19  }
0x9c: {  	s7 =	simm.s32 $0x0;
	s20 =	sshll.u32 s5, $0x1;
	s5 =	sadd.s32 s21, s3  }
0x9d: {  	[timem:s7], [sflag:s22] =	dma.local [hbm:s5], s20  }
0x9e: {  	_ =	swait.ge [sflag:s22], s20  }
0x9f: {  	s4 =	ssub.s32 $0x0, s20;
	[sflag:s22] =	ssyncset.done $0x0  }
0xa0: {  	[sflag:s22] =	ssyncadd.s32 s4;
	_ =	sdelay $0x1  }
0xa1: {  	s23 =	simm.s32 $0x1B8B  }
0xa2: {  	_ =	swait.ge [sflag:s23], $0x1  }
0xa3: {  	[sflag:s23] =	ssyncset.done $0x0  }
0xa4: {  	s25 =	simm.s32 $0x1B8E;
	s24 =	sld [smem:$0x3FFE];
	[sflag:s23] =	ssyncadd.s32 $0xFFFFFFFF  }
0xa5: {  	s26 =	simm.s32 $execute0_lowered;
	[smem:$0x3FD2] =	sst s25  }
0xa6: {  	s5 =	sshll.u32 s26, $0x1;
	_ =	strace $0x8000004C;
	[dreg:$0x1] =	wrdreg $0xFFFFFFFF  }
0xa7: {  	s28 =	simm.s32 $_size_execute0_lowered;
	s3 =	sadd.s32 s3, s5;
	[dreg:$0x0] =	wrdreg $0x0  }
0xa8: {  	s5 =	sshll.u32 s28, $0x1;
	[dreg:$0x2] =	wrdreg s3  }
0xa9: {  	[dreg:$0x3] =	wrdreg s5  }
0xaa: {  	[dreg:$0x4] =	wrdreg $0xC0  }
0xab: {  	_ =	task [dreg:s7], $0x5FFFF  }
0xac: {  	[dreg:$0x1] =	wrdreg $0xFFFFFFFF  }
0xad: {  	[dreg:$0x0] =	wrdreg $0x60  }
0xae: {  	[dreg:$0x2] =	wrdreg s2  }
0xaf: {  	[dreg:$0x3] =	wrdreg s24  }
0xb0: {  	[dreg:$0x4] =	wrdreg $0xAE000  }
0xb1: {  	[dreg:$0x5] =	wrdreg $0x9  }
0xb2: {  	_ =	task.clear_ibuf [dreg:s7], $0x6FFFF;
	_ =	strace $0x9000004C  }
0xb3: {  	s29 =	simm.s32 $0x9;
	_ =	strace $0x8000004E  }
0xb4: {  	_ =	swait.ge [sflag:s29], $0x1  }
0xb5: {  	[sflag:s29] =	ssyncadd.s32 $0xFFFFFFFF  }
0xb6: {  	_ =	strace $0x9000004E  }
0xb7: {  	_ =	sfence  }
0xb8: {  	s30 =	sld [smem:$0x0];
	_ =	sdelay $0x2  }
0xb9: {  	s31 =	sshll.u32 s1, $0xD;
	s1 =	sshrl.u32 s1, $0x2  }
0xba: {  	s3 =	sand.u32 $0x4000, s31;
	s1 =	sadd.s32 s1, s30  }
0xbb: {  	s0 =	sor.u32 s3, s0;
	s1 =	sshll.u32 s1, $0x11  }
0xbc: {  	s0 =	sor.u32 s1, s0  }
0xbd: {  	s0 =	sadd.s32 $0x8F2B, s0  }
0xbe: {  	[sflag:s0] =	ssyncadd.remote.s32 $0x1  }
0xbf: {  	_ =	sfence.sel $0xFFFF  }
0xc0: {  	[dreg:$0x0] =	wrdreg $0xFFFFFFFF;
	(pc) =	sbr.abs _section_cstart, $3  }
0xc1: {  	[dreg:$0x1] =	wrdreg $0xFFFFFFFF  }
0xc2: {  	_ =	task.clear_ibuf [dreg:s7], $0x2FFFF;
	_ =	strace $0x9FFFFFFF  }
0xc3: {  	(tm) =	ssettm $0x7FFFFFFF  }
tec
execute0_lowered:
.L_overlay_start_1:
0x0: {  	(tag) =	ssettag $0x1  }
0x1: {  	s1 =	rddreg [dreg:$0x0]  }
0x2: {  	s2 =	srdreg.scid;
	s7 =	rddreg [dreg:$0x1]  }
0x3: {  	s0 =	stileid.u32;
	s3 =	rddreg [dreg:$0x2];
	s4 =	simm.s32 $0x0  }
0x4: {  	s13 =	simm.s32 $0x2C00;
	s14 =	simm.s32 $0x2E00;
	s15 =	simm.s32 $0x1  }
0x5: {  	s16 =	simm.s32 $0x2;
	s17 =	simm.s32 $0x2D00;
	s18 =	simm.s32 $0x6E00  }
0x6: {  	s19 =	simm.s32 $0x2C80;
	s20 =	simm.s32 $0x3;
	s21 =	simm.s32 $0x2D80  }
0x7: {  	s23 =	simm.s32 $0x0;
	s6 =	sand.u32 $0x1, s2;
	s9 =	smul.u32 $0x14000, s0  }
0x8: {  	s29 =	sshll.u32 s0, $0x1;
	[smem:$0x7FF] =	sst s4;
	s30 =	smul.u32 $0x50000, s0  }
0x9: {  	s22 =	sshll.u32 s0, $0x6;
	s2 =	sor.u32 s6, s29;
	s8 =	smul.u32 $0x140000, s6  }
0xa: {  	s6 =	ssub.s32 $0x2, s6;
	s5 =	smul.u32 $0x580, s2;
	s2 =	rddreg [dreg:$0x3]  }
0xb: {  	_ =	strace $0x8000004D;
	s31 =	sshrl.u32 s6, $0x1;
	s8 =	sadd.s32 s9, s8  }
0xc: {  	s9 =	sshrl.u32 s30, $0x2;
	s11 =	ssub.s32 s6, s31;
	s6 =	sor.u32 $0x1C01, s22  }
0xd: {  	s22 =	sor.u32 $0x1C04, s22;
	s10 =	sadd.s32 s5, s7;
	s5 =	sadd.s32 $0x5EA00, s7  }
0xe: {  	s8 =	sshrl.u32 s8, $0x3;
	s12 =	sadd.s32 s9, s3;
	s9 =	smax.u32 s11, $0x1  }
0xf: {  	s11 =	simm.s32 $0x4;
	s8 =	sadd.s32 s8, s7;
	s7 =	sadd.s32 $0x3200, s10  }
0x10: {  	s10 =	sshrl.u32 s12, $0x3;
	s12 =	simm.s32 $0x80;
	s8 =	sadd.s32 $0x61200, s8  }
.LBB2_1:
0x11: {  	[spmem:s10], [sflag:s6] =	dma.local [hbm:s5], $0x2800  }
0x12: {  	[tilespmem:s4], [sflag:$0x4] =	stream.linear.gather [hbm4b:s7+s4], $0x2900, $0x38;
	[tilespmem:$0x1EE00] =	vst v63  }
0x13: {  	_ =	swait.ge [sflag:s11], $0x2900  }
0x14: {  	[sflag:s11] =	ssyncset.done $0x0  }
0x15: {  	[sflag:s11] =	ssyncadd.s32 $0xFFFFD700  }
0x16: {  	v0 =	vld [tilespmem:$0x0];
	_ =	sdelay $0x1  }
0x17: {  	v1 =	vld [tilespmem:$0x10];
	_ =	sdelay $0x1  }
0x18: {  	v2 =	vld [tilespmem:$0x20]  }
0x19: {  	v3 =	vand.u32 $0xFFFF, v0  }
0x1a: {  	v0 =	vshrl.u32 v0, $0x10;
	[tilespmem:$0x2C00] =	vst v3;
	v3 =	vld [tilespmem:$0x30]  }
0x1b: {  	[tilespmem:$0x2C80] =	vst v0;
	v0 =	vand.u32 $0xFFFF, v1  }
0x1c: {  	[tilespmem:$0x2C10] =	vst v0;
	v0 =	vshrl.u32 v1, $0x10;
	v1 =	vld [tilespmem:$0x40]  }
0x1d: {  	[tilespmem:$0x2C90] =	vst v0;
	v0 =	vand.u32 $0xFFFF, v2  }
0x1e: {  	[tilespmem:$0x2C20] =	vst v0;
	v0 =	vshrl.u32 v2, $0x10;
	v2 =	vld [tilespmem:$0x50]  }
0x1f: {  	[tilespmem:$0x2CA0] =	vst v0;
	v0 =	vand.u32 $0xFFFF, v3  }
0x20: {  	[tilespmem:$0x2C30] =	vst v0;
	v0 =	vshrl.u32 v3, $0x10;
	v3 =	vld [tilespmem:$0x60]  }
0x21: {  	[tilespmem:$0x2CB0] =	vst v0;
	v0 =	vand.u32 $0xFFFF, v1  }
0x22: {  	[tilespmem:$0x2C40] =	vst v0;
	v0 =	vshrl.u32 v1, $0x10;
	v1 =	vld [tilespmem:$0x70]  }
0x23: {  	[tilespmem:$0x2CC0] =	vst v0;
	v0 =	vand.u32 $0xFFFF, v2  }
0x24: {  	[tilespmem:$0x2C50] =	vst v0;
	v0 =	vshrl.u32 v2, $0x10  }
0x25: {  	[tilespmem:$0x2CD0] =	vst v0;
	v0 =	vand.u32 $0xFFFF, v3  }
0x26: {  	[tilespmem:$0x2C60] =	vst v0;
	v0 =	vshrl.u32 v3, $0x10  }
0x27: {  	[tilespmem:$0x2CE0] =	vst v0;
	v0 =	vand.u32 $0xFFFF, v1  }
0x28: {  	[tilespmem:$0x2C70] =	vst v0;
	v0 =	vshrl.u32 v1, $0x10  }
0x29: {  	[tilespmem:$0x2CF0] =	vst v0  }
0x2a: {  	[tilespmem:s14], [sflag:$0x2] =	stream.indirect.gather [hbm4b:s1+s12], $0x80, s13, s12, $0xb8;
	[tilespmem:$0x1EE00] =	vst v63  }
0x2b: {  	_ =	swait.ge [sflag:s15], $0x2800  }
0x2c: {  	[sflag:s15] =	ssyncset.done $0x0  }
0x2d: {  	[sflag:s15] =	ssyncadd.s32 $0xFFFFD800  }
0x2e: {  	s24 =	simm.s32 $0x0;
	[bflag:$0x0] =	sbarrier.arrive $0xFFFF  }
0x2f: {  	v0 =	vld [tilespmem:s24+$0x80];
	_ =	sdelay $0x4  }
0x30: {  	v1 =	vand.u32 $0xFFFF, v0  }
0x31: {  	v0 =	vshrl.u32 v0, $0x10;
	[tilespmem:$0x2D00] =	vst v1  }
0x32: {  	[tilespmem:$0x2D80] =	vst v0  }
0x33: {  	v0 =	vld [tilespmem:s24+$0x90];
	_ =	sdelay $0x4  }
0x34: {  	v1 =	vand.u32 $0xFFFF, v0  }
0x35: {  	v0 =	vshrl.u32 v0, $0x10;
	[tilespmem:$0x2D10] =	vst v1  }
0x36: {  	[tilespmem:$0x2D90] =	vst v0  }
0x37: {  	v0 =	vld [tilespmem:s24+$0xA0];
	_ =	sdelay $0x4  }
0x38: {  	v1 =	vand.u32 $0xFFFF, v0  }
0x39: {  	v0 =	vshrl.u32 v0, $0x10;
	[tilespmem:$0x2D20] =	vst v1  }
0x3a: {  	[tilespmem:$0x2DA0] =	vst v0  }
0x3b: {  	v0 =	vld [tilespmem:s24+$0xB0];
	_ =	sdelay $0x4  }
0x3c: {  	v1 =	vand.u32 $0xFFFF, v0  }
0x3d: {  	v0 =	vshrl.u32 v0, $0x10;
	[tilespmem:$0x2D30] =	vst v1  }
0x3e: {  	[tilespmem:$0x2DB0] =	vst v0  }
0x3f: {  	v0 =	vld [tilespmem:s24+$0xC0];
	_ =	sdelay $0x4  }
0x40: {  	v1 =	vand.u32 $0xFFFF, v0  }
0x41: {  	v0 =	vshrl.u32 v0, $0x10;
	[tilespmem:$0x2D40] =	vst v1  }
0x42: {  	[tilespmem:$0x2DC0] =	vst v0  }
0x43: {  	v0 =	vld [tilespmem:s24+$0xD0];
	_ =	sdelay $0x4  }
0x44: {  	v1 =	vand.u32 $0xFFFF, v0  }
0x45: {  	v0 =	vshrl.u32 v0, $0x10;
	[tilespmem:$0x2D50] =	vst v1  }
0x46: {  	[tilespmem:$0x2DD0] =	vst v0  }
0x47: {  	v0 =	vld [tilespmem:s24+$0xE0];
	_ =	sdelay $0x4  }
0x48: {  	v1 =	vand.u32 $0xFFFF, v0  }
0x49: {  	v0 =	vshrl.u32 v0, $0x10;
	[tilespmem:$0x2D60] =	vst v1  }
0x4a: {  	[tilespmem:$0x2DE0] =	vst v0  }
0x4b: {  	v0 =	vld [tilespmem:s24+$0xF0];
	_ =	sdelay $0x4  }
0x4c: {  	v1 =	vand.u32 $0xFFFF, v0  }
0x4d: {  	v0 =	vshrl.u32 v0, $0x10;
	[tilespmem:$0x2D70] =	vst v1  }
0x4e: {  	[tilespmem:$0x2DF0] =	vst v0  }
0x4f: {  	_ =	swait.ge [sflag:s16], $0x4000  }
0x50: {  	[sflag:s16] =	ssyncset.done $0x0  }
0x51: {  	[sflag:s16] =	ssyncadd.s32 $0xFFFFC000  }
0x52: {  	[tilespmem:s18], [sflag:$0x3] =	stream.indirect.gather [hbm4b:s1+s12], $0x80, s17, s12, $0xb8;
	[tilespmem:$0x1EE00] =	vst v63  }
0x53: {  	_ = 	snop  }
0x54: {  	[spmem:s3] =	stream.indirect.scatter.add.f32 [tilespmem:s14], [sflag:$0x4], $0x80, s19, s12, $0xb8;
	[tilespmem:$0x1EE00] =	vst v63  }
0x55: {  	_ =	swait.ge [sflag:s11], $0x4000  }
0x56: {  	p1 =	por $0x0, $0x0;
	[sflag:s11] =	ssyncset.done $0x0  }
0x57: {  	s25 =	simm.s32 @!p1 $0x0;
	[sflag:s11] =	ssyncadd.s32 $0xFFFFC000  }
0x58: {  	v0 =	vld @!p1 [tilespmem:s25+$0x100];
	_ =	sdelay $0x4  }
0x59: {  	v1 =	vand.u32 @!p1 $0xFFFF, v0  }
0x5a: {  	v0 =	vshrl.u32 @!p1 v0, $0x10;
	[tilespmem:$0x2C00] =	vst @!p1 v1  }
0x5b: {  	[tilespmem:$0x2C80] =	vst @!p1 v0  }
0x5c: {  	v0 =	vld @!p1 [tilespmem:s25+$0x110];
	_ =	sdelay $0x4  }
0x5d: {  	v1 =	vand.u32 @!p1 $0xFFFF, v0  }
0x5e: {  	v0 =	vshrl.u32 @!p1 v0, $0x10;
	[tilespmem:$0x2C10] =	vst @!p1 v1  }
0x5f: {  	[tilespmem:$0x2C90] =	vst @!p1 v0  }
0x60: {  	v0 =	vld @!p1 [tilespmem:s25+$0x120];
	_ =	sdelay $0x4  }
0x61: {  	v1 =	vand.u32 @!p1 $0xFFFF, v0  }
0x62: {  	v0 =	vshrl.u32 @!p1 v0, $0x10;
	[tilespmem:$0x2C20] =	vst @!p1 v1  }
0x63: {  	[tilespmem:$0x2CA0] =	vst @!p1 v0  }
0x64: {  	v0 =	vld @!p1 [tilespmem:s25+$0x130];
	_ =	sdelay $0x4  }
0x65: {  	v1 =	vand.u32 @!p1 $0xFFFF, v0  }
0x66: {  	v0 =	vshrl.u32 @!p1 v0, $0x10;
	[tilespmem:$0x2C30] =	vst @!p1 v1  }
0x67: {  	[tilespmem:$0x2CB0] =	vst @!p1 v0  }
0x68: {  	v0 =	vld @!p1 [tilespmem:s25+$0x140];
	_ =	sdelay $0x4  }
0x69: {  	v1 =	vand.u32 @!p1 $0xFFFF, v0  }
0x6a: {  	v0 =	vshrl.u32 @!p1 v0, $0x10;
	[tilespmem:$0x2C40] =	vst @!p1 v1  }
0x6b: {  	[tilespmem:$0x2CC0] =	vst @!p1 v0  }
0x6c: {  	v0 =	vld @!p1 [tilespmem:s25+$0x150];
	_ =	sdelay $0x4  }
0x6d: {  	v1 =	vand.u32 @!p1 $0xFFFF, v0  }
0x6e: {  	v0 =	vshrl.u32 @!p1 v0, $0x10;
	[tilespmem:$0x2C50] =	vst @!p1 v1  }
0x6f: {  	[tilespmem:$0x2CD0] =	vst @!p1 v0  }
0x70: {  	v0 =	vld @!p1 [tilespmem:s25+$0x160];
	_ =	sdelay $0x4  }
0x71: {  	s28 =	simm.s32 @!p1 $0x80;
	v1 =	vand.u32 @!p1 $0xFFFF, v0  }
0x72: {  	s29 =	simm.s32 @!p1 $0x2C00;
	s30 =	simm.s32 @!p1 $0x2E00;
	s24 =	simm.s32 $0x400;
	v0 =	vshrl.u32 @!p1 v0, $0x10;
	[tilespmem:$0x2C60] =	vst @!p1 v1  }
.LBB2_2:
0x73: {  	[tilespmem:$0x2CE0] =	vst @!p1 v0;
	s26 =	smov.u32 s24;
	s24 =	sadd.s32 $0x400, s24  }
0x74: {  	p0 =	sne.s32 s24, $0xA400;
	v0 =	vld @!p1 [tilespmem:s25+$0x170];
	_ =	sdelay $0x4  }
0x75: {  	v1 =	vand.u32 @!p1 $0xFFFF, v0;
	v0 =	vshrl.u32 @!p1 v0, $0x10  }
0x76: {  	[tilespmem:$0x2C70] =	vst @!p1 v1  }
0x77: {  	[tilespmem:$0x2CF0] =	vst @!p1 v0  }
0x78: {  	[tilespmem:s30], [sflag:$0x2] =	stream.indirect.gather @!p1 [hbm4b:s1+s28], $0x80, s29, s28, $0xb8;
	[tilespmem:$0x1EE00] =	vst v63  }
0x79: {  	_ =	swait.ge [sflag:s20], $0x4000  }
0x7a: {  	[sflag:s20] =	ssyncset.done $0x0  }
0x7b: {  	[sflag:s20] =	ssyncadd.s32 $0xFFFFC000  }
0x7c: {  	[spmem:s3] =	stream.indirect.scatter.add.f32 [tilespmem:s18], [sflag:$0x4], $0x80, s21, s12, $0xb8;
	[tilespmem:$0x1EE00] =	vst v63  }
0x7d: {  	_ =	swait.ge [sflag:s11], $0x4000  }
0x7e: {  	[sflag:s11] =	ssyncset.done $0x0  }
0x7f: {  	s25 =	sshra.s32 s26, $0x2;
	[sflag:s11] =	ssyncadd.s32 $0xFFFFC000  }
0x80: {  	v0 =	vld [tilespmem:s25+$0x80];
	_ =	sdelay $0x4  }
0x81: {  	v1 =	vand.u32 $0xFFFF, v0;
	v0 =	vshrl.u32 v0, $0x10  }
0x82: {  	[tilespmem:$0x2D00] =	vst v1  }
0x83: {  	[tilespmem:$0x2D80] =	vst v0  }
0x84: {  	v0 =	vld [tilespmem:s25+$0x90];
	_ =	sdelay $0x4  }
0x85: {  	v1 =	vand.u32 $0xFFFF, v0;
	v0 =	vshrl.u32 v0, $0x10  }
0x86: {  	[tilespmem:$0x2D10] =	vst v1  }
0x87: {  	[tilespmem:$0x2D90] =	vst v0  }
0x88: {  	v0 =	vld [tilespmem:s25+$0xA0];
	_ =	sdelay $0x4  }
0x89: {  	v1 =	vand.u32 $0xFFFF, v0;
	v0 =	vshrl.u32 v0, $0x10  }
0x8a: {  	[tilespmem:$0x2D20] =	vst v1  }
0x8b: {  	[tilespmem:$0x2DA0] =	vst v0  }
0x8c: {  	v0 =	vld [tilespmem:s25+$0xB0];
	_ =	sdelay $0x4  }
0x8d: {  	v1 =	vand.u32 $0xFFFF, v0;
	v0 =	vshrl.u32 v0, $0x10  }
0x8e: {  	[tilespmem:$0x2D30] =	vst v1  }
0x8f: {  	[tilespmem:$0x2DB0] =	vst v0  }
0x90: {  	v0 =	vld [tilespmem:s25+$0xC0];
	_ =	sdelay $0x4  }
0x91: {  	v1 =	vand.u32 $0xFFFF, v0;
	v0 =	vshrl.u32 v0, $0x10  }
0x92: {  	[tilespmem:$0x2D40] =	vst v1  }
0x93: {  	[tilespmem:$0x2DC0] =	vst v0  }
0x94: {  	v0 =	vld [tilespmem:s25+$0xD0];
	_ =	sdelay $0x4  }
0x95: {  	v1 =	vand.u32 $0xFFFF, v0;
	v0 =	vshrl.u32 v0, $0x10  }
0x96: {  	[tilespmem:$0x2D50] =	vst v1  }
0x97: {  	[tilespmem:$0x2DD0] =	vst v0  }
0x98: {  	v0 =	vld [tilespmem:s25+$0xE0];
	_ =	sdelay $0x4  }
0x99: {  	v1 =	vand.u32 $0xFFFF, v0;
	v0 =	vshrl.u32 v0, $0x10  }
0x9a: {  	[tilespmem:$0x2D60] =	vst v1  }
0x9b: {  	[tilespmem:$0x2DE0] =	vst v0  }
0x9c: {  	v0 =	vld [tilespmem:s25+$0xF0];
	_ =	sdelay $0x4  }
0x9d: {  	v1 =	vand.u32 $0xFFFF, v0;
	v0 =	vshrl.u32 v0, $0x10  }
0x9e: {  	[tilespmem:$0x2D70] =	vst v1  }
0x9f: {  	p1 =	seq.s32 s26, $0xA000;
	[tilespmem:$0x2DF0] =	vst v0  }
0xa0: {  	s25 =	sshra.s32 @!p1 s26, $0x2;
	_ =	swait.ge [sflag:s16], $0x4000  }
0xa1: {  	[sflag:s16] =	ssyncset.done $0x0  }
0xa2: {  	[sflag:s16] =	ssyncadd.s32 $0xFFFFC000  }
0xa3: {  	[tilespmem:s18], [sflag:$0x3] =	stream.indirect.gather [hbm4b:s1+s12], $0x80, s17, s12, $0xb8;
	[tilespmem:$0x1EE00] =	vst v63  }
0xa4: {  	_ = 	snop  }
0xa5: {  	[spmem:s3] =	stream.indirect.scatter.add.f32 [tilespmem:s14], [sflag:$0x4], $0x80, s19, s12, $0xb8;
	[tilespmem:$0x1EE00] =	vst v63  }
0xa6: {  	_ =	swait.ge [sflag:s11], $0x4000  }
0xa7: {  	[sflag:s11] =	ssyncset.done $0x0  }
0xa8: {  	[sflag:s11] =	ssyncadd.s32 $0xFFFFC000  }
0xa9: {  	v0 =	vld @!p1 [tilespmem:s25+$0x100];
	_ =	sdelay $0x4  }
0xaa: {  	v1 =	vand.u32 @!p1 $0xFFFF, v0;
	v0 =	vshrl.u32 @!p1 v0, $0x10  }
0xab: {  	[tilespmem:$0x2C00] =	vst @!p1 v1  }
0xac: {  	[tilespmem:$0x2C80] =	vst @!p1 v0  }
0xad: {  	v0 =	vld @!p1 [tilespmem:s25+$0x110];
	_ =	sdelay $0x4  }
0xae: {  	v1 =	vand.u32 @!p1 $0xFFFF, v0;
	v0 =	vshrl.u32 @!p1 v0, $0x10  }
0xaf: {  	[tilespmem:$0x2C10] =	vst @!p1 v1  }
0xb0: {  	[tilespmem:$0x2C90] =	vst @!p1 v0  }
0xb1: {  	v0 =	vld @!p1 [tilespmem:s25+$0x120];
	_ =	sdelay $0x4  }
0xb2: {  	v1 =	vand.u32 @!p1 $0xFFFF, v0;
	v0 =	vshrl.u32 @!p1 v0, $0x10  }
0xb3: {  	[tilespmem:$0x2C20] =	vst @!p1 v1  }
0xb4: {  	[tilespmem:$0x2CA0] =	vst @!p1 v0  }
0xb5: {  	v0 =	vld @!p1 [tilespmem:s25+$0x130];
	_ =	sdelay $0x4  }
0xb6: {  	v1 =	vand.u32 @!p1 $0xFFFF, v0;
	v0 =	vshrl.u32 @!p1 v0, $0x10  }
0xb7: {  	[tilespmem:$0x2C30] =	vst @!p1 v1  }
0xb8: {  	[tilespmem:$0x2CB0] =	vst @!p1 v0  }
0xb9: {  	v0 =	vld @!p1 [tilespmem:s25+$0x140];
	_ =	sdelay $0x4  }
0xba: {  	v1 =	vand.u32 @!p1 $0xFFFF, v0;
	v0 =	vshrl.u32 @!p1 v0, $0x10  }
0xbb: {  	[tilespmem:$0x2C40] =	vst @!p1 v1  }
0xbc: {  	[tilespmem:$0x2CC0] =	vst @!p1 v0  }
0xbd: {  	v0 =	vld @!p1 [tilespmem:s25+$0x150];
	_ =	sdelay $0x4  }
0xbe: {  	v1 =	vand.u32 @!p1 $0xFFFF, v0;
	v0 =	vshrl.u32 @!p1 v0, $0x10  }
0xbf: {  	[tilespmem:$0x2C50] =	vst @!p1 v1  }
0xc0: {  	s28 =	simm.s32 @!p1 $0x80;
	s29 =	simm.s32 @!p1 $0x2C00;
	s30 =	simm.s32 @!p1 $0x2E00;
	[tilespmem:$0x2CD0] =	vst @!p1 v0  }
0xc1: {  	v0 =	vld @!p1 [tilespmem:s25+$0x160];
	_ =	sdelay $0x1  }
.Ltmp0:
0xc2: {  	(pc) =	sbr.rel @p0 .LBB2_2-.Ltmp0, $3  }
0xc3: {  	_ =	sdelay $0x1  }
0xc4: {  	v1 =	vand.u32 @!p1 $0xFFFF, v0;
	v0 =	vshrl.u32 @!p1 v0, $0x10  }
0xc5: {  	[tilespmem:$0x2C60] =	vst @!p1 v1  }
0xc6: {  	[tilespmem:$0x2CE0] =	vst @!p1 v0  }
0xc7: {  	v0 =	vld @!p1 [tilespmem:s25+$0x170];
	_ =	sdelay $0x4  }
0xc8: {  	v1 =	vand.u32 @!p1 $0xFFFF, v0  }
0xc9: {  	v0 =	vshrl.u32 @!p1 v0, $0x10;
	[tilespmem:$0x2C70] =	vst @!p1 v1  }
0xca: {  	[tilespmem:$0x2CF0] =	vst @!p1 v0  }
0xcb: {  	[tilespmem:s30], [sflag:$0x2] =	stream.indirect.gather @!p1 [hbm4b:s1+s28], $0x80, s29, s28, $0xb8;
	[tilespmem:$0x1EE00] =	vst v63  }
0xcc: {  	_ =	swait.ge [sflag:s20], $0x4000  }
0xcd: {  	[sflag:s20] =	ssyncset.done $0x0  }
0xce: {  	[sflag:s20] =	ssyncadd.s32 $0xFFFFC000  }
0xcf: {  	[spmem:s3] =	stream.indirect.scatter.add.f32 [tilespmem:s18], [sflag:$0x4], $0x80, s21, s12, $0xb8;
	[tilespmem:$0x1EE00] =	vst v63  }
0xd0: {  	_ =	swait.ge [sflag:s11], $0x4000  }
0xd1: {  	s23 =	sadd.s32 $0x1, s23;
	[sflag:s11] =	ssyncset.done $0x0  }
0xd2: {  	p0 =	sne.s32 s23, s9;
	[sflag:s11] =	ssyncadd.s32 $0xFFFFC000  }
.Ltmp1:
0xd3: {  	[bflag:$0x0] =	sbarrier.arrive $0xFFFF;
	(pc) =	sbr.rel @p0 .LBB2_1-.Ltmp1, $4  }
0xd4: {  	[hbm:s8], [sflag:s22] =	dma.local [spmem:s10], $0x2800  }
0xd5: {  	_ =	swait.ge [sflag:s11], $0x2800  }
0xd6: {  	[sflag:s11] =	ssyncset.done $0x0  }
0xd7: {  	[sflag:s11] =	ssyncadd.s32 $0xFFFFD800  }
0xd8: {  	_ =	sfence.sel $0x180000  }
0xd9: {  	[bflag:$0x0] =	sbarrier.arrive $0xFFFF  }
0xda: {  	p0 =	sne.s32 s0, $0x0;
	_ =	strace $0x9000004D  }
0xdb: {  	s0 =	sadd.s32 @!p0 $0x100000, s2;
	[bflag:$0x2] =	sbarrier.arrive $0xFFFF  }
0xdc: {  	[sflag:s0] =	ssyncadd.tile.s32 @!p0 $0x1;
	_ =	shalt  }
.Lfunc_end2:
_tile_overlayer_lowered:
.L_overlay_start_2:
0xdd: {  	(tag) =	ssettag $0x2  }
0xde: {  	s0 =	rddreg [dreg:$0x0];
	s2 =	stileid.u32  }
0xdf: {  	s1 =	rddreg [dreg:$0x1];
	p0 =	sne.s32 s2, $0x0  }
0xe0: {  	s3 =	rddreg [dreg:$0x2];
	[bflag:$0x3] =	sbarrier.arrive $0xFFFF;
	s2 =	simm.s32 @!p0 $0x1C04  }
0xe1: {  	[timem:s3], [sflag:s2] =	dma.local @!p0 [hbm:s0], s1  }
0xe2: {  	s0 =	simm.s32 @!p0 $0x4  }
0xe3: {  	_ =	swait.ge @!p0 [sflag:s0], s1  }
0xe4: {  	s1 =	ssub.s32 @!p0 $0x0, s1;
	[sflag:s0] =	ssyncset.done @!p0 $0x0  }
0xe5: {  	[sflag:s0] =	ssyncadd.s32 @!p0 s1  }
0xe6: {  	[bflag:$0x3] =	sbarrier.arrive $0xFFFF  }
0xe7: {  	_ =	shalt  }

// kernel: kernel.8.cloned.1.call-start
scs
__scs_entry_jumppad:
0x0: {  	(pc) =	sbr.rel $0x88, $3  }
0x1: {  	(tag) =	ssettag $0x0;
	lr =	simm.s32 $0x1  }
0x2: {  	[smem:$0x3F97] =	sst lr;
	_ =	strace $0xD0000000  }
0x3: {  	_ = 	snop  }
0x4: {  	_ = 	snop  }
0x5: {  	_ = 	snop  }
0x6: {  	_ = 	snop  }
0x7: {  	_ = 	snop  }
__scs_overlays_trampoline_lowered:
0x8: {  	[smem:$0x3FA6] =	sst s0  }
0x9: {  	[smem:$0x3FA7] =	sst s1  }
0xa: {  	[smem:$0x3FA8] =	sst s2  }
0xb: {  	[smem:$0x3FA9] =	sst s3  }
0xc: {  	[smem:$0x3FAA] =	sst s4  }
0xd: {  	[smem:$0x3FAB] =	sst s5  }
0xe: {  	[smem:$0x3FAC] =	sst s6  }
0xf: {  	[smem:$0x3FAD] =	sst s7  }
0x10: {  	[smem:$0x3FAE] =	sst s8  }
0x11: {  	[smem:$0x3FAF] =	sst s9;
	s0 =	simm.s32 @!p0 $0x0  }
0x12: {  	s1 =	sld [smem:$0x3F95];
	s0 =	simm.s32 @p0 $0x1  }
0x13: {  	[smem:$0x3FB0] =	sst s0;
	s0 =	simm.s32 @!p1 $0x0  }
0x14: {  	s2 =	sld [smem:$0x3F94];
	s0 =	simm.s32 @p1 $0x1  }
0x15: {  	[smem:$0x3FB1] =	sst s0;
	s0 =	simm.s32 @!p2 $0x0  }
0x16: {  	s3 =	sld [smem:$0x3FDB];
	s0 =	simm.s32 @p2 $0x1  }
0x17: {  	s4 =	simm.s32 $0x1BF5;
	[smem:$0x3FB3] =	sst s0  }
0x18: {  	s0 =	sld [smem:$0x3F96];
	_ =	swait.ge [sflag:s4], $0x0  }
0x19: {  	s7 =	sld [smem:$0x3F97]  }
0x1a: {  	s8 =	sadd.s32 $0xFFFFE003, lr  }
0x1b: {  	s9 =	sadd.s32 $0xFFFFFEF7, lr;
	s5 =	simm.s32 $0xFFFFFFFF;
	p2 =	slt.u32 s8, $0xFFFFF086  }
0x1c: {  	p1 =	slt.u32 s9, $0xF7A;
	s5 =	simm.s32 @!p2 $0x0  }
0x1d: {  	s5 =	simm.s32 @p1 $0x1;
	p0 =	seq.s32 s7, s2  }
0x1e: {  	s7 =	smul.u32 @!p0 $0xF7A, s2;
	p2 =	seq.s32 @!p0 s5, $0x0  }
0x1f: {  	s9 =	smul.u32 $0xF7A, s1;
	s8 =	simm.s32 @!p0 $0x1BF5;
	p2 =	por !p2, p0  }
0x20: {  	[sflag:s8] =	ssyncset.s32 @!p0 $0xFFFFF086;
	s6 =	sadd.s32 @!p0 s3, s7;
	s7 =	simm.s32 @!p0 $0x108  }
0x21: {  	s3 =	sadd.s32 s3, s9;
	s6 =	sadd.s32 @!p0 $0x88, s6;
	s7 =	simm.s32 @p2 $0x1082  }
0x22: {  	[simem:s7], [sflag:s8] =	dma.local @!p0 [hbm:s6], $0xF7A  }
0x23: {  	s9 =	sor.u32 $0xD0000000, s2;
	s6 =	simm.s32 $0x108;
	_ =	swait.ge @!p0 [sflag:s8], $0x0  }
0x24: {  	s3 =	sadd.s32 $0x88, s3;
	s6 =	simm.s32 @!p1 $0x1082;
	[sflag:s4] =	ssyncset.s32 $0xFFFFF086  }
0x25: {  	[simem:s6], [sflag:s4] =	dma.local [hbm:s3], $0xF7A  }
0x26: {  	[smem:$0x3F97] =	sst s1;
	(tag) =	ssettag s2;
	_ =	strace s9  }
0x27: {  	s1 =	sld [smem:$0x3FA7]  }
0x28: {  	s2 =	sld [smem:$0x3FA8]  }
0x29: {  	s4 =	sld [smem:$0x3FAA]  }
0x2a: {  	p0 =	seq.s32 s5, $0x0;
	s5 =	sld [smem:$0x3FAB]  }
0x2b: {  	s6 =	sld [smem:$0x3FAC]  }
0x2c: {  	s7 =	sld [smem:$0x3FAD]  }
0x2d: {  	s3 =	simm.s32 $0x108;
	s8 =	sld [smem:$0x3FAE]  }
0x2e: {  	s3 =	simm.s32 @!p0 $0x1082;
	s9 =	sld [smem:$0x3FAF]  }
0x2f: {  	lr =	sadd.s32 s0, s3;
	s0 =	sld [smem:$0x3FA6]  }
0x30: {  	s3 =	sld [smem:$0x3FA9]  }
0x31: {  	[smem:$0x3FB2] =	sst s10  }
0x32: {  	s10 =	sld [smem:$0x3FB0];
	_ =	sdelay $0x3  }
0x33: {  	p0 =	seq.s32 s10, $0x1;
	s10 =	sld [smem:$0x3FB2];
	_ =	sdelay $0x3  }
0x34: {  	[smem:$0x3FB2] =	sst s10  }
0x35: {  	s10 =	sld [smem:$0x3FB1];
	_ =	sdelay $0x3  }
0x36: {  	p1 =	seq.s32 s10, $0x1;
	s10 =	sld [smem:$0x3FB2];
	_ =	sdelay $0x3  }
0x37: {  	[smem:$0x3FB2] =	sst s10  }
0x38: {  	s10 =	sld [smem:$0x3FB3]  }
0x39: {  	_ = 	snop;
	(pc) =	sbr.ind lr, $3  }
0x3a: {  	_ = 	snop  }
0x3b: {  	_ = 	snop  }
0x3c: {  	p2 =	seq.s32 s10, $0x1;
	s10 =	sld [smem:$0x3FB2]  }
0x3d: {  	_ =	shalt  }
0x3e: {  	_ =	shalt  }
0x3f: {  	_ =	shalt  }
0x40: {  	_ =	shalt  }
0x41: {  	_ =	shalt  }
0x42: {  	_ =	shalt  }
0x43: {  	_ =	shalt  }
0x44: {  	_ =	shalt  }
0x45: {  	_ =	shalt  }
0x46: {  	_ =	shalt  }
0x47: {  	_ =	shalt  }
0x48: {  	_ =	shalt  }
0x49: {  	_ =	shalt  }
0x4a: {  	_ =	shalt  }
0x4b: {  	_ =	shalt  }
0x4c: {  	_ =	shalt  }
0x4d: {  	_ =	shalt  }
0x4e: {  	_ =	shalt  }
0x4f: {  	_ =	shalt  }
0x50: {  	_ =	shalt  }
0x51: {  	_ =	shalt  }
0x52: {  	_ =	shalt  }
0x53: {  	_ =	shalt  }
0x54: {  	_ =	shalt  }
0x55: {  	_ =	shalt  }
0x56: {  	_ =	shalt  }
0x57: {  	_ =	shalt  }
0x58: {  	_ =	shalt  }
0x59: {  	_ =	shalt  }
0x5a: {  	_ =	shalt  }
0x5b: {  	_ =	shalt  }
0x5c: {  	_ =	shalt  }
0x5d: {  	_ =	shalt  }
0x5e: {  	_ =	shalt  }
0x5f: {  	_ =	shalt  }
0x60: {  	_ =	shalt  }
0x61: {  	_ =	shalt  }
0x62: {  	_ =	shalt  }
0x63: {  	_ =	shalt  }
0x64: {  	_ =	shalt  }
0x65: {  	_ =	shalt  }
0x66: {  	_ =	shalt  }
0x67: {  	_ =	shalt  }
0x68: {  	_ =	shalt  }
0x69: {  	_ =	shalt  }
0x6a: {  	_ =	shalt  }
0x6b: {  	_ =	shalt  }
0x6c: {  	_ =	shalt  }
0x6d: {  	_ =	shalt  }
0x6e: {  	_ =	shalt  }
0x6f: {  	_ =	shalt  }
0x70: {  	_ =	shalt  }
0x71: {  	_ =	shalt  }
0x72: {  	_ =	shalt  }
0x73: {  	_ =	shalt  }
0x74: {  	_ =	shalt  }
0x75: {  	_ =	shalt  }
0x76: {  	_ =	shalt  }
0x77: {  	_ =	shalt  }
0x78: {  	_ =	shalt  }
0x79: {  	_ =	shalt  }
0x7a: {  	_ =	shalt  }
0x7b: {  	_ =	shalt  }
0x7c: {  	_ =	shalt  }
0x7d: {  	_ =	shalt  }
0x7e: {  	_ =	shalt  }
0x7f: {  	_ =	shalt  }
0x80: {  	_ =	shalt  }
0x81: {  	_ =	shalt  }
0x82: {  	_ =	shalt  }
0x83: {  	_ =	shalt  }
0x84: {  	_ =	shalt  }
0x85: {  	_ =	shalt  }
0x86: {  	_ =	shalt  }
0x87: {  	_ =	shalt  }
.Lfunc_end0:
.L_simem_size_0:
called_computation_lowered:
.L_overlay_start_0:
0x88: {  	s2 =	sld [smem:$0x3FD9]  }
0x89: {  	s3 =	sld [smem:$0x3FFE];
	_ =	sdelay $0x1  }
0x8a: {  	s1 =	srdreg.scid  }
0x8b: {  	s0 =	sand.u32 $0x1, s1  }
0x8c: {  	s17 =	sshll.u32 s0, $0xA;
	s2 =	sadd.s32 s3, s2  }
0x8d: {  	s2 =	sadd.s32 s2, s17  }
0x8e: {  	[smem:$0x3FBE] =	sst s2  }
0x8f: {  	_ = 	snop  }
0x90: {  	s2 =	sld [smem:$0x3FD0];
	(tm) =	ssettm $0x1  }
0x91: {  	s18 =	sld [smem:$0x3FFB];
	_ =	sdelay $0x3  }
0x92: {  	_ =	strace s18  }
0x93: {  	s3 =	sld [smem:$0x3FFC];
	_ =	sdelay $0x3  }
0x94: {  	_ =	strace s3  }
0x95: {  	s3 =	sld [smem:$0x3FFD];
	_ =	sdelay $0x3  }
0x96: {  	_ =	strace s3  }
0x97: {  	_ =	strace $0x8FFFFFFF  }
0x98: {  	s19 =	sld [smem:$0x3FDB];
	_ =	sdelay $0x1  }
0x99: {  	s4 =	simm.s32 $_scs_section_size  }
0x9a: {  	s5 =	simm.s32 $_size__tile_overlayer_lowered;
	s6 =	simm.s32 $_tile_overlayer_lowered  }
0x9b: {  	s22 =	simm.s32 $0x1BFF;
	s21 =	sshll.u32 s6, $0x1;
	s3 =	sadd.s32 s4, s19  }
0x9c: {  	s7 =	simm.s32 $0x0;
	s20 =	sshll.u32 s5, $0x1;
	s5 =	sadd.s32 s21, s3  }
0x9d: {  	[timem:s7], [sflag:s22] =	dma.local [hbm:s5], s20  }
0x9e: {  	_ =	swait.ge [sflag:s22], s20  }
0x9f: {  	s4 =	ssub.s32 $0x0, s20;
	[sflag:s22] =	ssyncset.done $0x0  }
0xa0: {  	[sflag:s22] =	ssyncadd.s32 s4;
	_ =	sdelay $0x1  }
0xa1: {  	s23 =	simm.s32 $0x1B8B  }
0xa2: {  	_ =	swait.ge [sflag:s23], $0x1  }
0xa3: {  	[sflag:s23] =	ssyncset.done $0x0  }
0xa4: {  	s25 =	simm.s32 $0x1B8E;
	s24 =	sld [smem:$0x3FFE];
	[sflag:s23] =	ssyncadd.s32 $0xFFFFFFFF  }
0xa5: {  	s26 =	simm.s32 $execute0_lowered;
	[smem:$0x3FD2] =	sst s25  }
0xa6: {  	s5 =	sshll.u32 s26, $0x1;
	_ =	strace $0x80000046;
	[dreg:$0x1] =	wrdreg $0xFFFFFFFF  }
0xa7: {  	s28 =	simm.s32 $_size_execute0_lowered;
	s3 =	sadd.s32 s3, s5;
	[dreg:$0x0] =	wrdreg $0x0  }
0xa8: {  	s5 =	sshll.u32 s28, $0x1;
	[dreg:$0x2] =	wrdreg s3  }
0xa9: {  	[dreg:$0x3] =	wrdreg s5  }
0xaa: {  	[dreg:$0x4] =	wrdreg $0xC0  }
0xab: {  	_ =	task [dreg:s7], $0x5FFFF  }
0xac: {  	[dreg:$0x1] =	wrdreg $0xFFFFFFFF  }
0xad: {  	[dreg:$0x0] =	wrdreg $0x60  }
0xae: {  	[dreg:$0x2] =	wrdreg s24  }
0xaf: {  	[dreg:$0x3] =	wrdreg s2  }
0xb0: {  	[dreg:$0x4] =	wrdreg $0x98000  }
0xb1: {  	[dreg:$0x5] =	wrdreg $0x9  }
0xb2: {  	_ =	task.clear_ibuf [dreg:s7], $0x6FFFF;
	_ =	strace $0x90000046  }
0xb3: {  	s29 =	simm.s32 $0x9;
	_ =	strace $0x80000048  }
0xb4: {  	_ =	swait.ge [sflag:s29], $0x1  }
0xb5: {  	[sflag:s29] =	ssyncadd.s32 $0xFFFFFFFF  }
0xb6: {  	_ =	strace $0x90000048  }
0xb7: {  	_ =	sfence  }
0xb8: {  	s30 =	sld [smem:$0x0];
	_ =	sdelay $0x2  }
0xb9: {  	s31 =	sshll.u32 s1, $0xD;
	s1 =	sshrl.u32 s1, $0x2  }
0xba: {  	s3 =	sand.u32 $0x4000, s31;
	s1 =	sadd.s32 s1, s30  }
0xbb: {  	s0 =	sor.u32 s3, s0;
	s1 =	sshll.u32 s1, $0x11  }
0xbc: {  	s0 =	sor.u32 s1, s0  }
0xbd: {  	s0 =	sadd.s32 $0x8F2B, s0  }
0xbe: {  	[sflag:s0] =	ssyncadd.remote.s32 $0x1  }
0xbf: {  	_ =	sfence.sel $0xFFFF  }
0xc0: {  	[dreg:$0x0] =	wrdreg $0xFFFFFFFF;
	(pc) =	sbr.abs _section_cstart, $3  }
0xc1: {  	[dreg:$0x1] =	wrdreg $0xFFFFFFFF  }
0xc2: {  	_ =	task.clear_ibuf [dreg:s7], $0x2FFFF;
	_ =	strace $0x9FFFFFFF  }
0xc3: {  	(tm) =	ssettm $0x7FFFFFFF  }
tec
execute0_lowered:
.L_overlay_start_1:
0x0: {  	(tag) =	ssettag $0x1  }
0x1: {  	s6 =	rddreg [dreg:$0x0]  }
0x2: {  	s1 =	srdreg.scid;
	s2 =	rddreg [dreg:$0x1]  }
0x3: {  	s0 =	stileid.u32;
	s3 =	rddreg [dreg:$0x2];
	s4 =	simm.s32 $0x0  }
0x4: {  	s13 =	simm.s32 $0x1;
	s14 =	simm.s32 $0x80;
	s15 =	simm.s32 $0x2  }
0x5: {  	s17 =	simm.s32 $0x0;
	s7 =	sand.u32 $0x1, s1;
	s9 =	smul.u32 $0x14000, s0  }
0x6: {  	s29 =	sshll.u32 s0, $0x1;
	[smem:$0x7FF] =	sst s4;
	s30 =	smul.u32 $0x50000, s0  }
0x7: {  	s16 =	sshll.u32 s0, $0x6;
	s1 =	sor.u32 s7, s29;
	s8 =	smul.u32 $0x140000, s7  }
0x8: {  	s7 =	ssub.s32 $0x2, s7;
	s5 =	smul.u32 $0x580, s1;
	s1 =	rddreg [dreg:$0x3]  }
0x9: {  	_ =	strace $0x80000047;
	s31 =	sshrl.u32 s7, $0x1;
	s8 =	sadd.s32 s9, s8  }
0xa: {  	s9 =	sshrl.u32 s30, $0x2;
	s11 =	ssub.s32 s7, s31;
	s10 =	sadd.s32 s5, s6  }
0xb: {  	s5 =	sadd.s32 $0xE200, s6;
	s8 =	sshrl.u32 s8, $0x3;
	s12 =	sadd.s32 s9, s3  }
0xc: {  	s9 =	smax.u32 s11, $0x1;
	s11 =	simm.s32 $0x3;
	s8 =	sadd.s32 s8, s6  }
0xd: {  	s6 =	sor.u32 $0x1C01, s16;
	s7 =	sadd.s32 $0x3200, s10;
	s10 =	sshrl.u32 s12, $0x3  }
0xe: {  	s12 =	simm.s32 $0x5800;
	s16 =	sor.u32 $0x1C03, s16;
	s8 =	sadd.s32 $0xEA00, s8  }
.LBB2_1:
0xf: {  	[spmem:s10], [sflag:s6] =	dma.local [hbm:s2], $0x2800  }
0x10: {  	[tilespmem:s4], [sflag:$0x3] =	stream.linear.gather [hbm4b:s7+s4], $0x2900, $0x38;
	[tilespmem:$0xC000] =	vst v63  }
0x11: {  	_ =	swait.ge [sflag:s11], $0x2900  }
0x12: {  	[sflag:s11] =	ssyncset.done $0x0  }
0x13: {  	[sflag:s11] =	ssyncadd.s32 $0xFFFFD700  }
0x14: {  	[tilespmem:s12], [sflag:$0x3] =	stream.linear.gather [hbm4b:s5+s4], $0x4000, $0x38;
	[tilespmem:$0xC000] =	vst v63  }
0x15: {  	_ =	swait.ge [sflag:s11], $0x4000  }
0x16: {  	[sflag:s11] =	ssyncset.done $0x0  }
0x17: {  	s19 =	simm.s32 $0x0;
	[sflag:s11] =	ssyncadd.s32 $0xFFFFC000  }
0x18: {  	v1 =	vld [tilespmem:s19+$0x70]  }
0x19: {  	v4 =	vld [tilespmem:s19+$0x0]  }
0x1a: {  	v5 =	vld [tilespmem:s19+$0x10]  }
0x1b: {  	v3 =	vld [tilespmem:s19+$0x20]  }
0x1c: {  	v2 =	vld [tilespmem:s19+$0x30]  }
0x1d: {  	v0 =	vld [tilespmem:s19+$0x40];
	v6 =	vshrl.u32 v1, $0x10  }
0x1e: {  	v1 =	vld [tilespmem:s19+$0x50];
	v4 =	vshrl.u32 v4, $0x10;
	[tilespmem:s19+$0x2C70] =	vst v6  }
0x1f: {  	s18 =	simm.s32 $0x80;
	s20 =	simm.s32 $0x400;
	v5 =	vshrl.u32 v5, $0x10;
	[tilespmem:s19+$0x2C00] =	vst v4;
	v4 =	vld [tilespmem:s19+$0x60]  }
.LBB2_2:
0x20: {  	p0 =	sne.s32 s20, $0xA200;
	v6 =	vld [tilespmem:s18+$0x70];
	[tilespmem:s19+$0x2C10] =	vst v5;
	v3 =	vshrl.u32 v3, $0x10  }
0x21: {  	v5 =	vld [tilespmem:s18+$0x0];
	[tilespmem:s19+$0x2C20] =	vst v3;
	v2 =	vshrl.u32 v2, $0x10  }
0x22: {  	v7 =	vld [tilespmem:s18+$0x10];
	[tilespmem:s19+$0x2C30] =	vst v2;
	v0 =	vshrl.u32 v0, $0x10  }
.Ltmp0:
0x23: {  	v3 =	vld [tilespmem:s18+$0x20];
	[tilespmem:s19+$0x2C40] =	vst v0;
	v0 =	vshrl.u32 v1, $0x10;
	(pc) =	sbr.rel @p0 .LBB2_2-.Ltmp0, $4  }
0x24: {  	v2 =	vld [tilespmem:s18+$0x30];
	[tilespmem:s19+$0x2C50] =	vst v0;
	v1 =	vshrl.u32 v4, $0x10  }
0x25: {  	v0 =	vld [tilespmem:s18+$0x40];
	v4 =	vshrl.u32 v6, $0x10;
	[tilespmem:s19+$0x2C60] =	vst v1;
	s19 =	smov.u32 s18  }
0x26: {  	v5 =	vshrl.u32 v5, $0x10;
	v1 =	vld [tilespmem:s19+$0x50];
	[tilespmem:s19+$0x2C70] =	vst v4  }
0x27: {  	s18 =	sshra.s32 s20, $0x2;
	s20 =	sadd.s32 $0x200, s20;
	[tilespmem:s19+$0x2C00] =	vst v5;
	v5 =	vshrl.u32 v7, $0x10;
	v4 =	vld [tilespmem:s19+$0x60]  }
0x28: {  	v6 =	vld [tilespmem:s18+$0x70];
	[tilespmem:s19+$0x2C10] =	vst v5;
	v3 =	vshrl.u32 v3, $0x10  }
0x29: {  	v5 =	vld [tilespmem:s18+$0x0];
	[tilespmem:s19+$0x2C20] =	vst v3;
	v2 =	vshrl.u32 v2, $0x10  }
0x2a: {  	v3 =	vld [tilespmem:s18+$0x10];
	[tilespmem:s19+$0x2C30] =	vst v2;
	v0 =	vshrl.u32 v0, $0x10  }
0x2b: {  	v2 =	vld [tilespmem:s18+$0x20];
	[tilespmem:s19+$0x2C40] =	vst v0;
	v51 =	vshrl.u32 v1, $0x10  }
0x2c: {  	v52 =	vld [tilespmem:s18+$0x30];
	[tilespmem:s19+$0x2C50] =	vst v51;
	v53 =	vshrl.u32 v4, $0x10  }
0x2d: {  	v54 =	vld [tilespmem:s18+$0x40];
	[tilespmem:s19+$0x2C60] =	vst v53;
	v55 =	vshrl.u32 v6, $0x10  }
0x2e: {  	v56 =	vld [tilespmem:s18+$0x50];
	v5 =	vshrl.u32 v5, $0x10;
	[tilespmem:s18+$0x2C70] =	vst v55  }
0x2f: {  	v58 =	vld [tilespmem:s18+$0x60];
	[tilespmem:s18+$0x2C00] =	vst v5;
	v57 =	vshrl.u32 v3, $0x10  }
0x30: {  	[tilespmem:s18+$0x2C10] =	vst v57;
	v59 =	vshrl.u32 v2, $0x10  }
0x31: {  	[tilespmem:s18+$0x2C20] =	vst v59;
	v60 =	vshrl.u32 v52, $0x10  }
0x32: {  	[tilespmem:s18+$0x2C30] =	vst v60;
	v61 =	vshrl.u32 v54, $0x10  }
0x33: {  	[tilespmem:s18+$0x2C40] =	vst v61;
	v62 =	vshrl.u32 v56, $0x10  }
0x34: {  	v63 =	vshrl.u32 v58, $0x10;
	[tilespmem:s18+$0x2C50] =	vst v62  }
0x35: {  	[tilespmem:s18+$0x2C60] =	vst v63  }
0x36: {  	_ =	swait.ge [sflag:s13], $0x2800  }
0x37: {  	[sflag:s13] =	ssyncset.done $0x0  }
0x38: {  	[sflag:s13] =	ssyncadd.s32 $0xFFFFD800  }
0x39: {  	s18 =	simm.s32 $0x0;
	[bflag:$0x0] =	sbarrier.arrive $0xFFFF  }
.LBB2_4:
0x3a: {  	p0 =	sne.s32 s18, $0xA200  }
.Ltmp1:
0x3b: {  	_ = 	snop;
	(pc) =	sbr.rel @p0 .LBB2_4-.Ltmp1, $4  }
0x3c: {  	_ = 	snop  }
0x3d: {  	s19 =	sshra.s32 s18, $0x2  }
0x3e: {  	s18 =	sadd.s32 $0x200, s18;
	s19 =	sadd.s32 $0x2C00, s19  }
0x3f: {  	[spmem:s3] =	stream.indirect.scatter.add.f32 [tilespmem:s12], [sflag:$0x2], $0x10, s19, s14, $0xb8;
	[tilespmem:$0xC000] =	vst v63  }
0x40: {  	_ =	swait.ge [sflag:s15], $0x800  }
0x41: {  	s18 =	simm.s32 $0x51;
	[sflag:s15] =	ssyncset.done $0x0  }
.LBB2_6:
0x42: {  	p0 =	sne.s32 s18, $0x1;
	s18 =	sadd.s32 $0xFFFFFFFF, s18;
	[sflag:s15] =	ssyncadd.s32 $0xFFFFF800  }
.Ltmp2:
0x43: {  	(pc) =	sbr.rel @p0 .LBB2_6-.Ltmp2, $3  }
0x44: {  	_ =	sdelay $0x1  }
0x45: {  	_ =	swait.ge [sflag:s15], $0x800  }
0x46: {  	[sflag:s15] =	ssyncset.done $0x0  }
0x47: {  	s17 =	sadd.s32 $0x1, s17  }
0x48: {  	[sflag:s15] =	ssyncadd.s32 $0xFFFFF800;
	p0 =	sne.s32 s17, s9  }
.Ltmp3:
0x49: {  	[bflag:$0x0] =	sbarrier.arrive $0xFFFF;
	(pc) =	sbr.rel @p0 .LBB2_1-.Ltmp3, $4  }
0x4a: {  	[hbm:s8], [sflag:s16] =	dma.local [spmem:s10], $0x2800  }
0x4b: {  	_ =	swait.ge [sflag:s11], $0x2800  }
0x4c: {  	[sflag:s11] =	ssyncset.done $0x0  }
0x4d: {  	[sflag:s11] =	ssyncadd.s32 $0xFFFFD800  }
0x4e: {  	_ =	sfence.sel $0x180000  }
0x4f: {  	[bflag:$0x0] =	sbarrier.arrive $0xFFFF  }
0x50: {  	p0 =	sne.s32 s0, $0x0;
	_ =	strace $0x90000047  }
0x51: {  	s0 =	sadd.s32 @!p0 $0x100000, s1;
	[bflag:$0x2] =	sbarrier.arrive $0xFFFF  }
0x52: {  	[sflag:s0] =	ssyncadd.tile.s32 @!p0 $0x1;
	_ =	shalt  }
.Lfunc_end2:
_tile_overlayer_lowered:
.L_overlay_start_2:
0x53: {  	(tag) =	ssettag $0x2  }
0x54: {  	s0 =	rddreg [dreg:$0x0];
	s2 =	stileid.u32  }
0x55: {  	s1 =	rddreg [dreg:$0x1];
	p0 =	sne.s32 s2, $0x0  }
0x56: {  	s3 =	rddreg [dreg:$0x2];
	[bflag:$0x3] =	sbarrier.arrive $0xFFFF;
	s2 =	simm.s32 @!p0 $0x1C03  }
0x57: {  	[timem:s3], [sflag:s2] =	dma.local @!p0 [hbm:s0], s1  }
0x58: {  	s0 =	simm.s32 @!p0 $0x3  }
0x59: {  	_ =	swait.ge @!p0 [sflag:s0], s1  }
0x5a: {  	s1 =	ssub.s32 @!p0 $0x0, s1;
	[sflag:s0] =	ssyncset.done @!p0 $0x0  }
0x5b: {  	[sflag:s0] =	ssyncadd.s32 @!p0 s1  }
0x5c: {  	[bflag:$0x3] =	sbarrier.arrive $0xFFFF  }
0x5d: {  	_ =	shalt  }

</sc_bundles>
